<compile_context>
chip_gen: v7x
topology: tpu7x:2x2x1
jax: 0.10.2.dev20260603
libtpu: 0.0.44.dev20260713+nightly
codegen_flags: <defaults>
</compile_context>

<pallas_src>
import functools

import jax
import jax.numpy as jnp
from jax import lax
from jax.experimental import pallas as pl
from jax.experimental.pallas import tpu as pltpu
from jax.experimental.pallas import tpu_sc as plsc

_D = 32
_E = 200000
_NW = 32
_CHUNK = 128
_CH = 50
_EPAD = _NW * _CH * _CHUNK
_BT = 2048
_BR = _BT // 4
_GB = _EPAD // _BT


def _sc_gather(node_emb, head_idx, tail_idx):
    mesh = plsc.VectorSubcoreMesh(core_axis_name="c", subcore_axis_name="s")

    @functools.partial(
        pl.kernel,
        mesh=mesh,
        out_type=jax.ShapeDtypeStruct((_EPAD // 4, 128), jnp.float32),
        scratch_types=[
            pltpu.VMEM((_CH, _CHUNK), jnp.int32),
            pltpu.VMEM((_CH, _CHUNK), jnp.int32),
            [pltpu.VMEM((_CHUNK, _D), jnp.float32) for _ in range(2)],
            [pltpu.VMEM((_CHUNK, _D), jnp.float32) for _ in range(2)],
            [pltpu.VMEM((_CHUNK, _D), jnp.float32) for _ in range(2)],
            [pltpu.SemaphoreType.DMA for _ in range(2)],
            [pltpu.SemaphoreType.DMA for _ in range(2)],
        ],
        compiler_params=pltpu.CompilerParams(use_tc_tiling_on_sc=False),
    )
    def gather_kernel(node_hbm, hidx_hbm, tidx_hbm, dout_hbm,
                      hidx_v, tidx_v, hbuf, tbuf, dbuf, sem_g, sem_w):
        wid = lax.axis_index("s") * 2 + lax.axis_index("c")
        pltpu.sync_copy(hidx_hbm.at[wid], hidx_v)
        pltpu.sync_copy(tidx_hbm.at[wid], tidx_v)

        def start_gather(c, b):
            pltpu.make_async_copy(node_hbm.at[hidx_v.at[c]], hbuf[b],
                                  sem_g[b]).start()
            pltpu.make_async_copy(node_hbm.at[tidx_v.at[c]], tbuf[b],
                                  sem_g[b]).start()

        def wait_gather(b):
            pltpu.make_async_copy(node_hbm.at[hidx_v.at[0]], hbuf[b],
                                  sem_g[b]).wait()
            pltpu.make_async_copy(node_hbm.at[tidx_v.at[0]], tbuf[b],
                                  sem_g[b]).wait()

        def wait_write(b):
            pltpu.make_async_copy(
                dbuf[b], dout_hbm.at[pl.ds(0, _CHUNK), pl.ds(0, _D)],
                sem_w[b]).wait()

        def start_write(c, b):
            t = wid * _CH + c
            r0 = (t >> 4) * 512 + (t & 3) * _CHUNK
            lane = ((t >> 2) & 3) * _D
            pltpu.make_async_copy(
                dbuf[b], dout_hbm.at[pl.ds(r0, _CHUNK), pl.ds(lane, _D)],
                sem_w[b]).start()

        start_gather(0, 0)

        def pair(g, carry):
            c0 = g * 2

            @pl.when(g > 0)
            def _w0():
                wait_write(0)

            wait_gather(0)
            start_gather(c0 + 1, 1)

            def sub_row0(r, carry2):
                r4 = r * 4
                for q in range(8):
                    v = (hbuf[0][r4 + (q >> 1), pl.ds((q & 1) * 16, 16)]
                         - tbuf[0][r4 + (q >> 1), pl.ds((q & 1) * 16, 16)])
                    dbuf[0][r4 + (q >> 1), pl.ds((q & 1) * 16, 16)] = v
                return carry2

            lax.fori_loop(0, _CHUNK // 4, sub_row0, 0)
            start_write(c0, 0)

            @pl.when(g > 0)
            def _w1():
                wait_write(1)

            wait_gather(1)

            @pl.when(g < _CH // 2 - 1)
            def _ng():
                start_gather(c0 + 2, 0)

            def sub_row1(r, carry2):
                r4 = r * 4
                for q in range(8):
                    v = (hbuf[1][r4 + (q >> 1), pl.ds((q & 1) * 16, 16)]
                         - tbuf[1][r4 + (q >> 1), pl.ds((q & 1) * 16, 16)])
                    dbuf[1][r4 + (q >> 1), pl.ds((q & 1) * 16, 16)] = v
                return carry2

            lax.fori_loop(0, _CHUNK // 4, sub_row1, 0)
            start_write(c0 + 1, 1)
            return carry

        lax.fori_loop(0, _CH // 2, pair, 0)
        wait_write(0)
        wait_write(1)

    return gather_kernel(node_emb, head_idx, tail_idx)


def _tc_loss(diff2d, ridx3, p_stacked, r_emb_w):

    def body(d_ref, r_ref, p_ref, e_ref, o_ref):
        i = pl.program_id(0)
        blk_t = d_ref[...].T

        growt = lax.shift_right_logical(
            lax.broadcasted_iota(jnp.int32, (_D * _D, _BR), 0), 5)
        rrow = lax.broadcasted_iota(jnp.int32, (64, _BR), 0)
        kcol = lax.broadcasted_iota(jnp.int32, (1, _BR), 1)
        p_t = p_ref[...].astype(jnp.bfloat16)
        e_t = e_ref[...]

        part = jnp.zeros((), jnp.float32)
        for j in range(4):
            d_t = blk_t[_D * j:_D * (j + 1), :].astype(jnp.bfloat16)
            rj = r_ref[0, j, :]
            g = lax.shift_right_logical(rj, 1)

            tile_t = jnp.concatenate([d_t] * _D, axis=0)
            sel = (growt == g[None, :])
            x_t = jnp.where(sel, tile_t, jnp.bfloat16(0))
            out_t = jnp.dot(p_t, x_t,
                            preferred_element_type=jnp.float32)

            onehot_t = (rrow == rj[None, :]).astype(jnp.float32)
            re_t = jnp.dot(e_t, onehot_t,
                           preferred_element_type=jnp.float32)

            s = out_t + re_t
            e_glob = i * _BT + j * _BR + kcol
            s = jnp.where(e_glob < _E, s, 0.0)
            part = part + jnp.sum(s * s)

        @pl.when(i == 0)
        def _init():
            o_ref[...] = jnp.zeros((1, 1), jnp.float32)

        o_ref[...] = o_ref[...] + part

        @pl.when(i == _GB - 1)
        def _final():
            o_ref[...] = o_ref[...] * (1.0 / (_E * _D))

    return pl.pallas_call(
        body,
        grid=(_GB,),
        in_specs=[
            pl.BlockSpec((_BR, 128), lambda i: (i, 0)),
            pl.BlockSpec((1, 8, _BR), lambda i: (i, 0, 0)),
            pl.BlockSpec((_D, _D * _D), lambda i: (0, 0)),
            pl.BlockSpec((_D, 64), lambda i: (0, 0)),
        ],
        out_specs=pl.BlockSpec((1, 1), lambda i: (0, 0)),
        out_shape=jax.ShapeDtypeStruct((1, 1), jnp.float32),
    )(diff2d, ridx3, p_stacked, r_emb_w)


def kernel(node_emb, r_emb_w, r_proj_w, edge_index_t, edge_attr):
    pad = _EPAD - _E
    head_idx = jnp.concatenate(
        [edge_index_t[:, 0], jnp.zeros((pad,), jnp.int32)]).astype(jnp.int32)
    tail_idx = jnp.concatenate(
        [edge_index_t[:, 1], jnp.zeros((pad,), jnp.int32)]).astype(jnp.int32)
    head_idx = head_idx.reshape(_NW, _CH, _CHUNK)
    tail_idx = tail_idx.reshape(_NW, _CH, _CHUNK)

    diff_rows = _sc_gather(node_emb, head_idx, tail_idx)

    ridx = jnp.concatenate(
        [edge_attr[:, 0], jnp.zeros((pad,), jnp.int32)]).astype(jnp.int32)
    ridx3 = jnp.pad(ridx.reshape(_GB, 4, _BR), ((0, 0), (0, 4), (0, 0)))

    p_stacked = r_proj_w.reshape(32, _D, _D).transpose(2, 0, 1).reshape(_D, _D * _D)

    loss = _tc_loss(diff_rows, ridx3, p_stacked, r_emb_w.T)
    return loss[0, 0]

# --- scband reference (transcript-rebuilt; emitter-appended) ---
"""Pipeline reference for scband-kgnet-1271310320251 (READ-ONLY COPY).

The authoritative reference and input builder live on the scoring server;
editing this copy changes nothing except your own understanding.
"""

import jax, jax.numpy as jnp
import numpy as np

NUM_NODES = 1000000
NUM_RELATIONS = 64
EMB_DIM = 32
E = 200000


def setup_inputs(seed: int = 0) -> dict:
    key = jax.random.key(seed)
    k1, k2, k3, k4, k5 = jax.random.split(key, 5)
    node_emb = jax.random.normal(k1, (NUM_NODES, EMB_DIM), dtype=jnp.float32) * 0.1
    r_emb_w = jax.random.normal(k2, (NUM_RELATIONS, EMB_DIM), dtype=jnp.float32) * 0.1
    r_proj_w = jax.random.normal(k3, (NUM_RELATIONS // 2, EMB_DIM * EMB_DIM), dtype=jnp.float32) * 0.1
    edge_index_t = jax.random.randint(k4, (E, 2), 0, NUM_NODES)
    edge_attr = jax.random.randint(k5, (E, 1), 0, NUM_RELATIONS)
    return {
        "node_emb": node_emb,
        "r_emb_w": r_emb_w,
        "r_proj_w": r_proj_w,
        "edge_index_t": edge_index_t,
        "edge_attr": edge_attr,
    }


def _trans_r_project(node_emb_gathered, r_idx, r_proj_w):
    # node_emb_gathered: [E, 1, D]; r_proj_w: [R//2, D*D]
    r_proj = jnp.take(r_proj_w, r_idx // 2, axis=0).reshape(-1, EMB_DIM, EMB_DIM)
    proj_node = jnp.matmul(node_emb_gathered, r_proj).reshape(-1, EMB_DIM)
    return proj_node


def reference(node_emb, r_emb_w, r_proj_w, edge_index_t, edge_attr):
    # Faithful translation of KGNet.get_kg_loss with pretrain='trans_r'.
    # Note: the torch code indexes .weight directly, which BYPASSES the
    # Embedding max_norm renormalization, so no renorm is applied here.
    r_idx = edge_attr[:, 0]
    r_e = jnp.take(r_emb_w, r_idx, axis=0)                     # [E, D]
    head_raw = jnp.take(node_emb, edge_index_t[:, :1], axis=0)  # [E, 1, D]
    tail_raw = jnp.take(node_emb, edge_index_t[:, 1:2], axis=0) # [E, 1, D]
    head = _trans_r_project(head_raw, r_idx, r_proj_w)          # [E, D]
    tail = _trans_r_project(tail_raw, r_idx, r_proj_w)          # [E, D]
    loss = jnp.mean((head + r_e - tail) ** 2)                   # MSELoss
    return loss

if __name__ == "__main__":
    import jax
    _d = setup_inputs()
    print(jax.jit(kernel)(*tuple(_d.values())))

</pallas_src>

<mosaic_0001>
#map = affine_map<(d0, d1) -> (0, 0)>
#map1 = affine_map<(d0, d1) -> (0, 0, 0)>
module attributes {stable_mosaic.version = 14 : i64} {
  func.func @gather_kernel(%arg0: i32, %arg1: i32, %arg2: memref<1000000x32xf32, #tpu.memory_space<hbm>>, %arg3: memref<32x50x128xi32, #tpu.memory_space<hbm>>, %arg4: memref<32x50x128xi32, #tpu.memory_space<hbm>>, %arg5: memref<51200x128xf32, #tpu.memory_space<hbm>>, %arg6: memref<50x128xi32, #tpu.memory_space<vmem>>, %arg7: memref<50x128xi32, #tpu.memory_space<vmem>>, %arg8: memref<128x32xf32, #tpu.memory_space<vmem>>, %arg9: memref<128x32xf32, #tpu.memory_space<vmem>>, %arg10: memref<128x32xf32, #tpu.memory_space<vmem>>, %arg11: memref<128x32xf32, #tpu.memory_space<vmem>>, %arg12: memref<128x32xf32, #tpu.memory_space<vmem>>, %arg13: memref<128x32xf32, #tpu.memory_space<vmem>>, %arg14: memref<!tpu.dma_semaphore, #tpu.memory_space<semaphore_mem>>, %arg15: memref<!tpu.dma_semaphore, #tpu.memory_space<semaphore_mem>>, %arg16: memref<!tpu.dma_semaphore, #tpu.memory_space<semaphore_mem>>, %arg17: memref<!tpu.dma_semaphore, #tpu.memory_space<semaphore_mem>>) attributes {dimension_semantics = [#tpu.dimension_semantics<core_parallel>, #tpu.dimension_semantics<subcore_parallel>], iteration_bounds = array<i64: 2, 16>, scalar_prefetch = 0 : i64, scratch_operands = 12 : i64, tpu.core_type = #tpu.core_type<sc_vector_subcore>, window_params = [{transform_indices = #map}, {transform_indices = #map1}, {transform_indices = #map1}, {transform_indices = #map}]} {
    %mul3A = arith.constant 2 : i32
    %mul3A_0 = arith.muli %arg1, %mul3A : i32
    %add3A = arith.addi %mul3A_0, %arg0 : i32
    "tpu.region"() ({
      %run_scoped3A = tpu.sem_alloc : memref<!tpu.dma_semaphore, #tpu.memory_space<semaphore_mem>>
      %dma_start3A_30 = arith.constant 0 : i32
      %dma_start3A_31 = arith.constant 0 : i32
      %dma_start3A_32 = tpu.memref_slice %arg3[%add3A, %dma_start3A_30, %dma_start3A_31] : memref<32x50x128xi32, #tpu.memory_space<hbm>> -> memref<1x50x128xi32, #tpu.memory_space<hbm>>
      %dma_start3A_33 = tpu.memref_squeeze %dma_start3A_32 : memref<1x50x128xi32, #tpu.memory_space<hbm>> -> memref<50x128xi32, #tpu.memory_space<hbm>>
      %dma_start3A_34 = arith.constant 0 : i32
      %dma_start3A_35 = arith.constant 0 : i32
      %dma_start3A_36 = tpu.memref_slice %arg3[%add3A, %dma_start3A_34, %dma_start3A_35] : memref<32x50x128xi32, #tpu.memory_space<hbm>> -> memref<1x50x128xi32, #tpu.memory_space<hbm>>
      %dma_start3A_37 = tpu.memref_squeeze %dma_start3A_36 : memref<1x50x128xi32, #tpu.memory_space<hbm>> -> memref<50x128xi32, #tpu.memory_space<hbm>>
      tpu.enqueue_dma source(%dma_start3A_37 : memref<50x128xi32, #tpu.memory_space<hbm>>) target(%arg6 : memref<50x128xi32, #tpu.memory_space<vmem>>) target_semaphore(%run_scoped3A : memref<!tpu.dma_semaphore, #tpu.memory_space<semaphore_mem>>)
      %dma_wait3A_38 = arith.constant 0 : i32
      %dma_wait3A_39 = arith.constant 0 : i32
      %dma_wait3A_40 = tpu.memref_slice %arg3[%add3A, %dma_wait3A_38, %dma_wait3A_39] : memref<32x50x128xi32, #tpu.memory_space<hbm>> -> memref<1x50x128xi32, #tpu.memory_space<hbm>>
      %dma_wait3A_41 = tpu.memref_squeeze %dma_wait3A_40 : memref<1x50x128xi32, #tpu.memory_space<hbm>> -> memref<50x128xi32, #tpu.memory_space<hbm>>
      %dma_wait3A_42 = arith.constant 0 : i32
      %dma_wait3A_43 = arith.constant 0 : i32
      %dma_wait3A_44 = tpu.memref_slice %arg3[%add3A, %dma_wait3A_42, %dma_wait3A_43] : memref<32x50x128xi32, #tpu.memory_space<hbm>> -> memref<1x50x128xi32, #tpu.memory_space<hbm>>
      %dma_wait3A_45 = tpu.memref_squeeze %dma_wait3A_44 : memref<1x50x128xi32, #tpu.memory_space<hbm>> -> memref<50x128xi32, #tpu.memory_space<hbm>>
      tpu.wait_dma2 semaphore(%run_scoped3A : memref<!tpu.dma_semaphore, #tpu.memory_space<semaphore_mem>>) src(%dma_wait3A_45 : memref<50x128xi32, #tpu.memory_space<hbm>>) dst(%arg6 : memref<50x128xi32, #tpu.memory_space<vmem>>)
      tpu.yield
    }) : () -> ()
    "tpu.region"() ({
      %run_scoped3A = tpu.sem_alloc : memref<!tpu.dma_semaphore, #tpu.memory_space<semaphore_mem>>
      %dma_start3A_30 = arith.constant 0 : i32
      %dma_start3A_31 = arith.constant 0 : i32
      %dma_start3A_32 = tpu.memref_slice %arg4[%add3A, %dma_start3A_30, %dma_start3A_31] : memref<32x50x128xi32, #tpu.memory_space<hbm>> -> memref<1x50x128xi32, #tpu.memory_space<hbm>>
      %dma_start3A_33 = tpu.memref_squeeze %dma_start3A_32 : memref<1x50x128xi32, #tpu.memory_space<hbm>> -> memref<50x128xi32, #tpu.memory_space<hbm>>
      %dma_start3A_34 = arith.constant 0 : i32
      %dma_start3A_35 = arith.constant 0 : i32
      %dma_start3A_36 = tpu.memref_slice %arg4[%add3A, %dma_start3A_34, %dma_start3A_35] : memref<32x50x128xi32, #tpu.memory_space<hbm>> -> memref<1x50x128xi32, #tpu.memory_space<hbm>>
      %dma_start3A_37 = tpu.memref_squeeze %dma_start3A_36 : memref<1x50x128xi32, #tpu.memory_space<hbm>> -> memref<50x128xi32, #tpu.memory_space<hbm>>
      tpu.enqueue_dma source(%dma_start3A_37 : memref<50x128xi32, #tpu.memory_space<hbm>>) target(%arg7 : memref<50x128xi32, #tpu.memory_space<vmem>>) target_semaphore(%run_scoped3A : memref<!tpu.dma_semaphore, #tpu.memory_space<semaphore_mem>>)
      %dma_wait3A_38 = arith.constant 0 : i32
      %dma_wait3A_39 = arith.constant 0 : i32
      %dma_wait3A_40 = tpu.memref_slice %arg4[%add3A, %dma_wait3A_38, %dma_wait3A_39] : memref<32x50x128xi32, #tpu.memory_space<hbm>> -> memref<1x50x128xi32, #tpu.memory_space<hbm>>
      %dma_wait3A_41 = tpu.memref_squeeze %dma_wait3A_40 : memref<1x50x128xi32, #tpu.memory_space<hbm>> -> memref<50x128xi32, #tpu.memory_space<hbm>>
      %dma_wait3A_42 = arith.constant 0 : i32
      %dma_wait3A_43 = arith.constant 0 : i32
      %dma_wait3A_44 = tpu.memref_slice %arg4[%add3A, %dma_wait3A_42, %dma_wait3A_43] : memref<32x50x128xi32, #tpu.memory_space<hbm>> -> memref<1x50x128xi32, #tpu.memory_space<hbm>>
      %dma_wait3A_45 = tpu.memref_squeeze %dma_wait3A_44 : memref<1x50x128xi32, #tpu.memory_space<hbm>> -> memref<50x128xi32, #tpu.memory_space<hbm>>
      tpu.wait_dma2 semaphore(%run_scoped3A : memref<!tpu.dma_semaphore, #tpu.memory_space<semaphore_mem>>) src(%dma_wait3A_45 : memref<50x128xi32, #tpu.memory_space<hbm>>) dst(%arg7 : memref<50x128xi32, #tpu.memory_space<vmem>>)
      tpu.yield
    }) : () -> ()
    %dma_start3A = arith.constant 0 : i32
    %dma_start3A_1 = arith.constant 0 : i32
    %dma_start3A_2 = tpu.memref_slice %arg6[%dma_start3A, %dma_start3A_1] : memref<50x128xi32, #tpu.memory_space<vmem>> -> memref<1x128xi32, #tpu.memory_space<vmem>>
    %dma_start3A_3 = tpu.memref_squeeze %dma_start3A_2 : memref<1x128xi32, #tpu.memory_space<vmem>> -> memref<128xi32, #tpu.memory_space<vmem>>
    %dma_start3A_4 = arith.constant 0 : i32
    %dma_start3A_5 = arith.constant 0 : i32
    %dma_start3A_6 = tpu.memref_slice %arg2[%dma_start3A_4, %dma_start3A_5] : memref<1000000x32xf32, #tpu.memory_space<hbm>> -> memref<1000000x32xf32, #tpu.memory_space<hbm>>
    tpu.enqueue_indirect_dma source(%dma_start3A_6 : memref<1000000x32xf32, #tpu.memory_space<hbm>>) target(%arg8 : memref<128x32xf32, #tpu.memory_space<vmem>>) offsets(%dma_start3A_3 : memref<128xi32, #tpu.memory_space<vmem>>) semaphore(%arg14 : memref<!tpu.dma_semaphore, #tpu.memory_space<semaphore_mem>>)
    %dma_start3A_7 = arith.constant 0 : i32
    %dma_start3A_8 = arith.constant 0 : i32
    %dma_start3A_9 = tpu.memref_slice %arg7[%dma_start3A_7, %dma_start3A_8] : memref<50x128xi32, #tpu.memory_space<vmem>> -> memref<1x128xi32, #tpu.memory_space<vmem>>
    %dma_start3A_10 = tpu.memref_squeeze %dma_start3A_9 : memref<1x128xi32, #tpu.memory_space<vmem>> -> memref<128xi32, #tpu.memory_space<vmem>>
    %dma_start3A_11 = arith.constant 0 : i32
    %dma_start3A_12 = arith.constant 0 : i32
    %dma_start3A_13 = tpu.memref_slice %arg2[%dma_start3A_11, %dma_start3A_12] : memref<1000000x32xf32, #tpu.memory_space<hbm>> -> memref<1000000x32xf32, #tpu.memory_space<hbm>>
    tpu.enqueue_indirect_dma source(%dma_start3A_13 : memref<1000000x32xf32, #tpu.memory_space<hbm>>) target(%arg10 : memref<128x32xf32, #tpu.memory_space<vmem>>) offsets(%dma_start3A_10 : memref<128xi32, #tpu.memory_space<vmem>>) semaphore(%arg14 : memref<!tpu.dma_semaphore, #tpu.memory_space<semaphore_mem>>)
    %scan3A = arith.constant 0 : i32
    %scan3A_14 = arith.constant 0 : i32
    %scan3A_15 = arith.constant 25 : i32
    %scan3A_16 = arith.addi %scan3A_14, %scan3A_15 : i32
    %scan3A_17 = arith.constant 1 : i32
    scf.for %scan3A_30 = %scan3A_14 to %scan3A_16 step %scan3A_17  : i32 {
      %mul3A_31 = arith.constant 2 : i32
      %mul3A_32 = arith.muli %scan3A_30, %mul3A_31 : i32
      %gt3A = arith.constant 0 : i32
      %gt3A_33 = arith.cmpi sgt, %scan3A_30, %gt3A : i32
      %convert_element_type3A = arith.extui %gt3A_33 : i1 to i32
      %cond3A = arith.constant 0 : i32
      %cond3A_34 = arith.cmpi ne, %convert_element_type3A, %cond3A : i32
      scf.if %cond3A_34 {
        %dma_wait3A_138 = arith.constant 0 : i32
        %dma_wait3A_139 = arith.constant 0 : i32
        %dma_wait3A_140 = tpu.memref_slice %arg5[%dma_wait3A_138, %dma_wait3A_139] : memref<51200x128xf32, #tpu.memory_space<hbm>> -> memref<128x32xf32, #tpu.memory_space<hbm>>
        %dma_wait3A_141 = arith.constant 0 : i32
        %dma_wait3A_142 = arith.constant 0 : i32
        %dma_wait3A_143 = tpu.memref_slice %arg5[%dma_wait3A_141, %dma_wait3A_142] : memref<51200x128xf32, #tpu.memory_space<hbm>> -> memref<128x32xf32, #tpu.memory_space<hbm>>
        tpu.wait_dma2 semaphore(%arg16 : memref<!tpu.dma_semaphore, #tpu.memory_space<semaphore_mem>>) src(%arg12 : memref<128x32xf32, #tpu.memory_space<vmem>>) dst(%dma_wait3A_143 : memref<128x32xf32, #tpu.memory_space<hbm>>)
      } else {
      }
      %dma_wait3A_35 = arith.constant 0 : i32
      %dma_wait3A_36 = arith.constant 0 : i32
      %dma_wait3A_37 = tpu.memref_slice %arg6[%dma_wait3A_35, %dma_wait3A_36] : memref<50x128xi32, #tpu.memory_space<vmem>> -> memref<1x128xi32, #tpu.memory_space<vmem>>
      %dma_wait3A_38 = tpu.memref_squeeze %dma_wait3A_37 : memref<1x128xi32, #tpu.memory_space<vmem>> -> memref<128xi32, #tpu.memory_space<vmem>>
      %dma_wait3A_39 = arith.constant 0 : i32
      %dma_wait3A_40 = arith.constant 0 : i32
      %dma_wait3A_41 = tpu.memref_slice %arg2[%dma_wait3A_39, %dma_wait3A_40] : memref<1000000x32xf32, #tpu.memory_space<hbm>> -> memref<1000000x32xf32, #tpu.memory_space<hbm>>
      tpu.wait_indirect_dma semaphore(%arg14 : memref<!tpu.dma_semaphore, #tpu.memory_space<semaphore_mem>>) src(%dma_wait3A_41 : memref<1000000x32xf32, #tpu.memory_space<hbm>>) dst(%arg8 : memref<128x32xf32, #tpu.memory_space<vmem>>)
      %dma_wait3A_42 = arith.constant 0 : i32
      %dma_wait3A_43 = arith.constant 0 : i32
      %dma_wait3A_44 = tpu.memref_slice %arg7[%dma_wait3A_42, %dma_wait3A_43] : memref<50x128xi32, #tpu.memory_space<vmem>> -> memref<1x128xi32, #tpu.memory_space<vmem>>
      %dma_wait3A_45 = tpu.memref_squeeze %dma_wait3A_44 : memref<1x128xi32, #tpu.memory_space<vmem>> -> memref<128xi32, #tpu.memory_space<vmem>>
      %dma_wait3A_46 = arith.constant 0 : i32
      %dma_wait3A_47 = arith.constant 0 : i32
      %dma_wait3A_48 = tpu.memref_slice %arg2[%dma_wait3A_46, %dma_wait3A_47] : memref<1000000x32xf32, #tpu.memory_space<hbm>> -> memref<1000000x32xf32, #tpu.memory_space<hbm>>
      tpu.wait_indirect_dma semaphore(%arg14 : memref<!tpu.dma_semaphore, #tpu.memory_space<semaphore_mem>>) src(%dma_wait3A_48 : memref<1000000x32xf32, #tpu.memory_space<hbm>>) dst(%arg10 : memref<128x32xf32, #tpu.memory_space<vmem>>)
      %add3A_49 = arith.constant 1 : i32
      %add3A_50 = arith.addi %mul3A_32, %add3A_49 : i32
      %dma_start3A_51 = arith.constant 0 : i32
      %dma_start3A_52 = tpu.memref_slice %arg6[%add3A_50, %dma_start3A_51] : memref<50x128xi32, #tpu.memory_space<vmem>> -> memref<1x128xi32, #tpu.memory_space<vmem>>
      %dma_start3A_53 = tpu.memref_squeeze %dma_start3A_52 : memref<1x128xi32, #tpu.memory_space<vmem>> -> memref<128xi32, #tpu.memory_space<vmem>>
      %dma_start3A_54 = arith.constant 0 : i32
      %dma_start3A_55 = arith.constant 0 : i32
      %dma_start3A_56 = tpu.memref_slice %arg2[%dma_start3A_54, %dma_start3A_55] : memref<1000000x32xf32, #tpu.memory_space<hbm>> -> memref<1000000x32xf32, #tpu.memory_space<hbm>>
      tpu.enqueue_indirect_dma source(%dma_start3A_56 : memref<1000000x32xf32, #tpu.memory_space<hbm>>) target(%arg9 : memref<128x32xf32, #tpu.memory_space<vmem>>) offsets(%dma_start3A_53 : memref<128xi32, #tpu.memory_space<vmem>>) semaphore(%arg15 : memref<!tpu.dma_semaphore, #tpu.memory_space<semaphore_mem>>)
      %dma_start3A_57 = arith.constant 0 : i32
      %dma_start3A_58 = tpu.memref_slice %arg7[%add3A_50, %dma_start3A_57] : memref<50x128xi32, #tpu.memory_space<vmem>> -> memref<1x128xi32, #tpu.memory_space<vmem>>
      %dma_start3A_59 = tpu.memref_squeeze %dma_start3A_58 : memref<1x128xi32, #tpu.memory_space<vmem>> -> memref<128xi32, #tpu.memory_space<vmem>>
      %dma_start3A_60 = arith.constant 0 : i32
      %dma_start3A_61 = arith.constant 0 : i32
      %dma_start3A_62 = tpu.memref_slice %arg2[%dma_start3A_60, %dma_start3A_61] : memref<1000000x32xf32, #tpu.memory_space<hbm>> -> memref<1000000x32xf32, #tpu.memory_space<hbm>>
      tpu.enqueue_indirect_dma source(%dma_start3A_62 : memref<1000000x32xf32, #tpu.memory_space<hbm>>) target(%arg11 : memref<128x32xf32, #tpu.memory_space<vmem>>) offsets(%dma_start3A_59 : memref<128xi32, #tpu.memory_space<vmem>>) semaphore(%arg15 : memref<!tpu.dma_semaphore, #tpu.memory_space<semaphore_mem>>)
      %scan3A_63 = arith.constant 0 : i32
      %scan3A_64 = arith.constant 0 : i32
      %scan3A_65 = arith.constant 32 : i32
      %scan3A_66 = arith.addi %scan3A_64, %scan3A_65 : i32
      %scan3A_67 = arith.constant 1 : i32
      scf.for %scan3A_138 = %scan3A_64 to %scan3A_66 step %scan3A_67  : i32 {
        %mul3A_139 = arith.constant 4 : i32
        %mul3A_140 = arith.muli %scan3A_138, %mul3A_139 : i32
        %add3A_141 = arith.constant 0 : i32
        %add3A_142 = arith.addi %mul3A_140, %add3A_141 : i32
        %get3A = arith.index_cast %add3A_142 : i32 to index
        %get3A_143 = arith.constant 0 : index
        %get3A_144 = tpu.vector_load %arg8[%get3A, %get3A_143] {strides = array<i32>} : memref<128x32xf32, #tpu.memory_space<vmem>>, vector<1x16xf32>,
        %get3A_145 = vector.shape_cast %get3A_144 : vector<1x16xf32> to vector<16xf32>
        %add3A_146 = arith.constant 0 : i32
        %add3A_147 = arith.addi %mul3A_140, %add3A_146 : i32
        %get3A_148 = arith.index_cast %add3A_147 : i32 to index
        %get3A_149 = arith.constant 0 : index
        %get3A_150 = tpu.vector_load %arg10[%get3A_148, %get3A_149] {strides = array<i32>} : memref<128x32xf32, #tpu.memory_space<vmem>>, vector<1x16xf32>,
        %get3A_151 = vector.shape_cast %get3A_150 : vector<1x16xf32> to vector<16xf32>
        %sub3A = arith.subf %get3A_145, %get3A_151 : vector<16xf32>
        %add3A_152 = arith.constant 0 : i32
        %add3A_153 = arith.addi %mul3A_140, %add3A_152 : i32
        %swap3A = arith.index_cast %add3A_153 : i32 to index
        %swap3A_154 = arith.constant 0 : index
        %swap3A_155 = tpu.vector_load %arg12[%swap3A, %swap3A_154] {strides = array<i32>} : memref<128x32xf32, #tpu.memory_space<vmem>>, vector<1x16xf32>,
        %swap3A_156 = vector.shape_cast %swap3A_155 : vector<1x16xf32> to vector<16xf32>
        %swap3A_157 = vector.shape_cast %sub3A : vector<16xf32> to vector<1x16xf32>
        tpu.vector_store %arg12[%swap3A, %swap3A_154], %swap3A_157 {strides = array<i32>} : memref<128x32xf32, #tpu.memory_space<vmem>>, vector<1x16xf32>,
        %add3A_158 = arith.constant 0 : i32
        %add3A_159 = arith.addi %mul3A_140, %add3A_158 : i32
        %get3A_160 = arith.index_cast %add3A_159 : i32 to index
        %get3A_161 = arith.constant 16 : index
        %get3A_162 = tpu.vector_load %arg8[%get3A_160, %get3A_161] {strides = array<i32>} : memref<128x32xf32, #tpu.memory_space<vmem>>, vector<1x16xf32>,
        %get3A_163 = vector.shape_cast %get3A_162 : vector<1x16xf32> to vector<16xf32>
        %add3A_164 = arith.constant 0 : i32
        %add3A_165 = arith.addi %mul3A_140, %add3A_164 : i32
        %get3A_166 = arith.index_cast %add3A_165 : i32 to index
        %get3A_167 = arith.constant 16 : index
        %get3A_168 = tpu.vector_load %arg10[%get3A_166, %get3A_167] {strides = array<i32>} : memref<128x32xf32, #tpu.memory_space<vmem>>, vector<1x16xf32>,
        %get3A_169 = vector.shape_cast %get3A_168 : vector<1x16xf32> to vector<16xf32>
        %sub3A_170 = arith.subf %get3A_163, %get3A_169 : vector<16xf32>
        %add3A_171 = arith.constant 0 : i32
        %add3A_172 = arith.addi %mul3A_140, %add3A_171 : i32
        %swap3A_173 = arith.index_cast %add3A_172 : i32 to index
        %swap3A_174 = arith.constant 16 : index
        %swap3A_175 = tpu.vector_load %arg12[%swap3A_173, %swap3A_174] {strides = array<i32>} : memref<128x32xf32, #tpu.memory_space<vmem>>, vector<1x16xf32>,
        %swap3A_176 = vector.shape_cast %swap3A_175 : vector<1x16xf32> to vector<16xf32>
        %swap3A_177 = vector.shape_cast %sub3A_170 : vector<16xf32> to vector<1x16xf32>
        tpu.vector_store %arg12[%swap3A_173, %swap3A_174], %swap3A_177 {strides = array<i32>} : memref<128x32xf32, #tpu.memory_space<vmem>>, vector<1x16xf32>,
        %add3A_178 = arith.constant 1 : i32
        %add3A_179 = arith.addi %mul3A_140, %add3A_178 : i32
        %get3A_180 = arith.index_cast %add3A_179 : i32 to index
        %get3A_181 = arith.constant 0 : index
        %get3A_182 = tpu.vector_load %arg8[%get3A_180, %get3A_181] {strides = array<i32>} : memref<128x32xf32, #tpu.memory_space<vmem>>, vector<1x16xf32>,
        %get3A_183 = vector.shape_cast %get3A_182 : vector<1x16xf32> to vector<16xf32>
        %add3A_184 = arith.constant 1 : i32
        %add3A_185 = arith.addi %mul3A_140, %add3A_184 : i32
        %get3A_186 = arith.index_cast %add3A_185 : i32 to index
        %get3A_187 = arith.constant 0 : index
        %get3A_188 = tpu.vector_load %arg10[%get3A_186, %get3A_187] {strides = array<i32>} : memref<128x32xf32, #tpu.memory_space<vmem>>, vector<1x16xf32>,
        %get3A_189 = vector.shape_cast %get3A_188 : vector<1x16xf32> to vector<16xf32>
        %sub3A_190 = arith.subf %get3A_183, %get3A_189 : vector<16xf32>
        %add3A_191 = arith.constant 1 : i32
        %add3A_192 = arith.addi %mul3A_140, %add3A_191 : i32
        %swap3A_193 = arith.index_cast %add3A_192 : i32 to index
        %swap3A_194 = arith.constant 0 : index
        %swap3A_195 = tpu.vector_load %arg12[%swap3A_193, %swap3A_194] {strides = array<i32>} : memref<128x32xf32, #tpu.memory_space<vmem>>, vector<1x16xf32>,
        %swap3A_196 = vector.shape_cast %swap3A_195 : vector<1x16xf32> to vector<16xf32>
        %swap3A_197 = vector.shape_cast %sub3A_190 : vector<16xf32> to vector<1x16xf32>
        tpu.vector_store %arg12[%swap3A_193, %swap3A_194], %swap3A_197 {strides = array<i32>} : memref<128x32xf32, #tpu.memory_space<vmem>>, vector<1x16xf32>,
        %add3A_198 = arith.constant 1 : i32
        %add3A_199 = arith.addi %mul3A_140, %add3A_198 : i32
        %get3A_200 = arith.index_cast %add3A_199 : i32 to index
        %get3A_201 = arith.constant 16 : index
        %get3A_202 = tpu.vector_load %arg8[%get3A_200, %get3A_201] {strides = array<i32>} : memref<128x32xf32, #tpu.memory_space<vmem>>, vector<1x16xf32>,
        %get3A_203 = vector.shape_cast %get3A_202 : vector<1x16xf32> to vector<16xf32>
        %add3A_204 = arith.constant 1 : i32
        %add3A_205 = arith.addi %mul3A_140, %add3A_204 : i32
        %get3A_206 = arith.index_cast %add3A_205 : i32 to index
        %get3A_207 = arith.constant 16 : index
        %get3A_208 = tpu.vector_load %arg10[%get3A_206, %get3A_207] {strides = array<i32>} : memref<128x32xf32, #tpu.memory_space<vmem>>, vector<1x16xf32>,
        %get3A_209 = vector.shape_cast %get3A_208 : vector<1x16xf32> to vector<16xf32>
        %sub3A_210 = arith.subf %get3A_203, %get3A_209 : vector<16xf32>
        %add3A_211 = arith.constant 1 : i32
        %add3A_212 = arith.addi %mul3A_140, %add3A_211 : i32
        %swap3A_213 = arith.index_cast %add3A_212 : i32 to index
        %swap3A_214 = arith.constant 16 : index
        %swap3A_215 = tpu.vector_load %arg12[%swap3A_213, %swap3A_214] {strides = array<i32>} : memref<128x32xf32, #tpu.memory_space<vmem>>, vector<1x16xf32>,
        %swap3A_216 = vector.shape_cast %swap3A_215 : vector<1x16xf32> to vector<16xf32>
        %swap3A_217 = vector.shape_cast %sub3A_210 : vector<16xf32> to vector<1x16xf32>
        tpu.vector_store %arg12[%swap3A_213, %swap3A_214], %swap3A_217 {strides = array<i32>} : memref<128x32xf32, #tpu.memory_space<vmem>>, vector<1x16xf32>,
        %add3A_218 = arith.constant 2 : i32
        %add3A_219 = arith.addi %mul3A_140, %add3A_218 : i32
        %get3A_220 = arith.index_cast %add3A_219 : i32 to index
        %get3A_221 = arith.constant 0 : index
        %get3A_222 = tpu.vector_load %arg8[%get3A_220, %get3A_221] {strides = array<i32>} : memref<128x32xf32, #tpu.memory_space<vmem>>, vector<1x16xf32>,
        %get3A_223 = vector.shape_cast %get3A_222 : vector<1x16xf32> to vector<16xf32>
        %add3A_224 = arith.constant 2 : i32
        %add3A_225 = arith.addi %mul3A_140, %add3A_224 : i32
        %get3A_226 = arith.index_cast %add3A_225 : i32 to index
        %get3A_227 = arith.constant 0 : index
        %get3A_228 = tpu.vector_load %arg10[%get3A_226, %get3A_227] {strides = array<i32>} : memref<128x32xf32, #tpu.memory_space<vmem>>, vector<1x16xf32>,
        %get3A_229 = vector.shape_cast %get3A_228 : vector<1x16xf32> to vector<16xf32>
        %sub3A_230 = arith.subf %get3A_223, %get3A_229 : vector<16xf32>
        %add3A_231 = arith.constant 2 : i32
        %add3A_232 = arith.addi %mul3A_140, %add3A_231 : i32
        %swap3A_233 = arith.index_cast %add3A_232 : i32 to index
        %swap3A_234 = arith.constant 0 : index
        %swap3A_235 = tpu.vector_load %arg12[%swap3A_233, %swap3A_234] {strides = array<i32>} : memref<128x32xf32, #tpu.memory_space<vmem>>, vector<1x16xf32>,
        %swap3A_236 = vector.shape_cast %swap3A_235 : vector<1x16xf32> to vector<16xf32>
        %swap3A_237 = vector.shape_cast %sub3A_230 : vector<16xf32> to vector<1x16xf32>
        tpu.vector_store %arg12[%swap3A_233, %swap3A_234], %swap3A_237 {strides = array<i32>} : memref<128x32xf32, #tpu.memory_space<vmem>>, vector<1x16xf32>,
        %add3A_238 = arith.constant 2 : i32
        %add3A_239 = arith.addi %mul3A_140, %add3A_238 : i32
        %get3A_240 = arith.index_cast %add3A_239 : i32 to index
        %get3A_241 = arith.constant 16 : index
        %get3A_242 = tpu.vector_load %arg8[%get3A_240, %get3A_241] {strides = array<i32>} : memref<128x32xf32, #tpu.memory_space<vmem>>, vector<1x16xf32>,
        %get3A_243 = vector.shape_cast %get3A_242 : vector<1x16xf32> to vector<16xf32>
        %add3A_244 = arith.constant 2 : i32
        %add3A_245 = arith.addi %mul3A_140, %add3A_244 : i32
        %get3A_246 = arith.index_cast %add3A_245 : i32 to index
        %get3A_247 = arith.constant 16 : index
        %get3A_248 = tpu.vector_load %arg10[%get3A_246, %get3A_247] {strides = array<i32>} : memref<128x32xf32, #tpu.memory_space<vmem>>, vector<1x16xf32>,
        %get3A_249 = vector.shape_cast %get3A_248 : vector<1x16xf32> to vector<16xf32>
        %sub3A_250 = arith.subf %get3A_243, %get3A_249 : vector<16xf32>
        %add3A_251 = arith.constant 2 : i32
        %add3A_252 = arith.addi %mul3A_140, %add3A_251 : i32
        %swap3A_253 = arith.index_cast %add3A_252 : i32 to index
        %swap3A_254 = arith.constant 16 : index
        %swap3A_255 = tpu.vector_load %arg12[%swap3A_253, %swap3A_254] {strides = array<i32>} : memref<128x32xf32, #tpu.memory_space<vmem>>, vector<1x16xf32>,
        %swap3A_256 = vector.shape_cast %swap3A_255 : vector<1x16xf32> to vector<16xf32>
        %swap3A_257 = vector.shape_cast %sub3A_250 : vector<16xf32> to vector<1x16xf32>
        tpu.vector_store %arg12[%swap3A_253, %swap3A_254], %swap3A_257 {strides = array<i32>} : memref<128x32xf32, #tpu.memory_space<vmem>>, vector<1x16xf32>,
        %add3A_258 = arith.constant 3 : i32
        %add3A_259 = arith.addi %mul3A_140, %add3A_258 : i32
        %get3A_260 = arith.index_cast %add3A_259 : i32 to index
        %get3A_261 = arith.constant 0 : index
        %get3A_262 = tpu.vector_load %arg8[%get3A_260, %get3A_261] {strides = array<i32>} : memref<128x32xf32, #tpu.memory_space<vmem>>, vector<1x16xf32>,
        %get3A_263 = vector.shape_cast %get3A_262 : vector<1x16xf32> to vector<16xf32>
        %add3A_264 = arith.constant 3 : i32
        %add3A_265 = arith.addi %mul3A_140, %add3A_264 : i32
        %get3A_266 = arith.index_cast %add3A_265 : i32 to index
        %get3A_267 = arith.constant 0 : index
        %get3A_268 = tpu.vector_load %arg10[%get3A_266, %get3A_267] {strides = array<i32>} : memref<128x32xf32, #tpu.memory_space<vmem>>, vector<1x16xf32>,
        %get3A_269 = vector.shape_cast %get3A_268 : vector<1x16xf32> to vector<16xf32>
        %sub3A_270 = arith.subf %get3A_263, %get3A_269 : vector<16xf32>
        %add3A_271 = arith.constant 3 : i32
        %add3A_272 = arith.addi %mul3A_140, %add3A_271 : i32
        %swap3A_273 = arith.index_cast %add3A_272 : i32 to index
        %swap3A_274 = arith.constant 0 : index
        %swap3A_275 = tpu.vector_load %arg12[%swap3A_273, %swap3A_274] {strides = array<i32>} : memref<128x32xf32, #tpu.memory_space<vmem>>, vector<1x16xf32>,
        %swap3A_276 = vector.shape_cast %swap3A_275 : vector<1x16xf32> to vector<16xf32>
        %swap3A_277 = vector.shape_cast %sub3A_270 : vector<16xf32> to vector<1x16xf32>
        tpu.vector_store %arg12[%swap3A_273, %swap3A_274], %swap3A_277 {strides = array<i32>} : memref<128x32xf32, #tpu.memory_space<vmem>>, vector<1x16xf32>,
        %add3A_278 = arith.constant 3 : i32
        %add3A_279 = arith.addi %mul3A_140, %add3A_278 : i32
        %get3A_280 = arith.index_cast %add3A_279 : i32 to index
        %get3A_281 = arith.constant 16 : index
        %get3A_282 = tpu.vector_load %arg8[%get3A_280, %get3A_281] {strides = array<i32>} : memref<128x32xf32, #tpu.memory_space<vmem>>, vector<1x16xf32>,
        %get3A_283 = vector.shape_cast %get3A_282 : vector<1x16xf32> to vector<16xf32>
        %add3A_284 = arith.constant 3 : i32
        %add3A_285 = arith.addi %mul3A_140, %add3A_284 : i32
        %get3A_286 = arith.index_cast %add3A_285 : i32 to index
        %get3A_287 = arith.constant 16 : index
        %get3A_288 = tpu.vector_load %arg10[%get3A_286, %get3A_287] {strides = array<i32>} : memref<128x32xf32, #tpu.memory_space<vmem>>, vector<1x16xf32>,
        %get3A_289 = vector.shape_cast %get3A_288 : vector<1x16xf32> to vector<16xf32>
        %sub3A_290 = arith.subf %get3A_283, %get3A_289 : vector<16xf32>
        %add3A_291 = arith.constant 3 : i32
        %add3A_292 = arith.addi %mul3A_140, %add3A_291 : i32
        %swap3A_293 = arith.index_cast %add3A_292 : i32 to index
        %swap3A_294 = arith.constant 16 : index
        %swap3A_295 = tpu.vector_load %arg12[%swap3A_293, %swap3A_294] {strides = array<i32>} : memref<128x32xf32, #tpu.memory_space<vmem>>, vector<1x16xf32>,
        %swap3A_296 = vector.shape_cast %swap3A_295 : vector<1x16xf32> to vector<16xf32>
        %swap3A_297 = vector.shape_cast %sub3A_290 : vector<16xf32> to vector<1x16xf32>
        tpu.vector_store %arg12[%swap3A_293, %swap3A_294], %swap3A_297 {strides = array<i32>} : memref<128x32xf32, #tpu.memory_space<vmem>>, vector<1x16xf32>,
      }
      %scan3A_68 = arith.constant 32 : i32
      %mul3A_69 = arith.constant 50 : i32
      %mul3A_70 = arith.muli %add3A, %mul3A_69 : i32
      %add3A_71 = arith.addi %mul3A_70, %mul3A_32 : i32
      %shift_right_arithmetic3A = arith.constant 4 : i32
      %shift_right_arithmetic3A_72 = arith.shrsi %add3A_71, %shift_right_arithmetic3A : i32
      %mul3A_73 = arith.constant 512 : i32
      %mul3A_74 = arith.muli %shift_right_arithmetic3A_72, %mul3A_73 : i32
      %and3A = arith.constant 3 : i32
      %and3A_75 = arith.andi %add3A_71, %and3A : i32
      %mul3A_76 = arith.constant 128 : i32
      %mul3A_77 = arith.muli %and3A_75, %mul3A_76 : i32
      %add3A_78 = arith.addi %mul3A_74, %mul3A_77 : i32
      %shift_right_arithmetic3A_79 = arith.constant 2 : i32
      %shift_right_arithmetic3A_80 = arith.shrsi %add3A_71, %shift_right_arithmetic3A_79 : i32
      %and3A_81 = arith.constant 3 : i32
      %and3A_82 = arith.andi %shift_right_arithmetic3A_80, %and3A_81 : i32
      %mul3A_83 = arith.constant 32 : i32
      %mul3A_84 = arith.muli %and3A_82, %mul3A_83 : i32
      %dma_start3A_85 = tpu.memref_slice %arg5[%add3A_78, %mul3A_84] : memref<51200x128xf32, #tpu.memory_space<hbm>> -> memref<128x32xf32, #tpu.memory_space<hbm>>
      %dma_start3A_86 = tpu.memref_slice %arg5[%add3A_78, %mul3A_84] : memref<51200x128xf32, #tpu.memory_space<hbm>> -> memref<128x32xf32, #tpu.memory_space<hbm>>
      tpu.enqueue_dma source(%arg12 : memref<128x32xf32, #tpu.memory_space<vmem>>) target(%dma_start3A_86 : memref<128x32xf32, #tpu.memory_space<hbm>>) target_semaphore(%arg16 : memref<!tpu.dma_semaphore, #tpu.memory_space<semaphore_mem>>)
      %gt3A_87 = arith.constant 0 : i32
      %gt3A_88 = arith.cmpi sgt, %scan3A_30, %gt3A_87 : i32
      %convert_element_type3A_89 = arith.extui %gt3A_88 : i1 to i32
      %cond3A_90 = arith.constant 0 : i32
      %cond3A_91 = arith.cmpi ne, %convert_element_type3A_89, %cond3A_90 : i32
      scf.if %cond3A_91 {
        %dma_wait3A_138 = arith.constant 0 : i32
        %dma_wait3A_139 = arith.constant 0 : i32
        %dma_wait3A_140 = tpu.memref_slice %arg5[%dma_wait3A_138, %dma_wait3A_139] : memref<51200x128xf32, #tpu.memory_space<hbm>> -> memref<128x32xf32, #tpu.memory_space<hbm>>
        %dma_wait3A_141 = arith.constant 0 : i32
        %dma_wait3A_142 = arith.constant 0 : i32
        %dma_wait3A_143 = tpu.memref_slice %arg5[%dma_wait3A_141, %dma_wait3A_142] : memref<51200x128xf32, #tpu.memory_space<hbm>> -> memref<128x32xf32, #tpu.memory_space<hbm>>
        tpu.wait_dma2 semaphore(%arg17 : memref<!tpu.dma_semaphore, #tpu.memory_space<semaphore_mem>>) src(%arg13 : memref<128x32xf32, #tpu.memory_space<vmem>>) dst(%dma_wait3A_143 : memref<128x32xf32, #tpu.memory_space<hbm>>)
      } else {
      }
      %dma_wait3A_92 = arith.constant 0 : i32
      %dma_wait3A_93 = arith.constant 0 : i32
      %dma_wait3A_94 = tpu.memref_slice %arg6[%dma_wait3A_92, %dma_wait3A_93] : memref<50x128xi32, #tpu.memory_space<vmem>> -> memref<1x128xi32, #tpu.memory_space<vmem>>
      %dma_wait3A_95 = tpu.memref_squeeze %dma_wait3A_94 : memref<1x128xi32, #tpu.memory_space<vmem>> -> memref<128xi32, #tpu.memory_space<vmem>>
      %dma_wait3A_96 = arith.constant 0 : i32
      %dma_wait3A_97 = arith.constant 0 : i32
      %dma_wait3A_98 = tpu.memref_slice %arg2[%dma_wait3A_96, %dma_wait3A_97] : memref<1000000x32xf32, #tpu.memory_space<hbm>> -> memref<1000000x32xf32, #tpu.memory_space<hbm>>
      tpu.wait_indirect_dma semaphore(%arg15 : memref<!tpu.dma_semaphore, #tpu.memory_space<semaphore_mem>>) src(%dma_wait3A_98 : memref<1000000x32xf32, #tpu.memory_space<hbm>>) dst(%arg9 : memref<128x32xf32, #tpu.memory_space<vmem>>)
      %dma_wait3A_99 = arith.constant 0 : i32
      %dma_wait3A_100 = arith.constant 0 : i32
      %dma_wait3A_101 = tpu.memref_slice %arg7[%dma_wait3A_99, %dma_wait3A_100] : memref<50x128xi32, #tpu.memory_space<vmem>> -> memref<1x128xi32, #tpu.memory_space<vmem>>
      %dma_wait3A_102 = tpu.memref_squeeze %dma_wait3A_101 : memref<1x128xi32, #tpu.memory_space<vmem>> -> memref<128xi32, #tpu.memory_space<vmem>>
      %dma_wait3A_103 = arith.constant 0 : i32
      %dma_wait3A_104 = arith.constant 0 : i32
      %dma_wait3A_105 = tpu.memref_slice %arg2[%dma_wait3A_103, %dma_wait3A_104] : memref<1000000x32xf32, #tpu.memory_space<hbm>> -> memref<1000000x32xf32, #tpu.memory_space<hbm>>
      tpu.wait_indirect_dma semaphore(%arg15 : memref<!tpu.dma_semaphore, #tpu.memory_space<semaphore_mem>>) src(%dma_wait3A_105 : memref<1000000x32xf32, #tpu.memory_space<hbm>>) dst(%arg11 : memref<128x32xf32, #tpu.memory_space<vmem>>)
      %lt3A = arith.constant 24 : i32
      %lt3A_106 = arith.cmpi slt, %scan3A_30, %lt3A : i32
      %convert_element_type3A_107 = arith.extui %lt3A_106 : i1 to i32
      %cond3A_108 = arith.constant 0 : i32
      %cond3A_109 = arith.cmpi ne, %convert_element_type3A_107, %cond3A_108 : i32
      scf.if %cond3A_109 {
        %add3A_138 = arith.constant 2 : i32
        %add3A_139 = arith.addi %mul3A_32, %add3A_138 : i32
        %dma_start3A_140 = arith.constant 0 : i32
        %dma_start3A_141 = tpu.memref_slice %arg6[%add3A_139, %dma_start3A_140] : memref<50x128xi32, #tpu.memory_space<vmem>> -> memref<1x128xi32, #tpu.memory_space<vmem>>
        %dma_start3A_142 = tpu.memref_squeeze %dma_start3A_141 : memref<1x128xi32, #tpu.memory_space<vmem>> -> memref<128xi32, #tpu.memory_space<vmem>>
        %dma_start3A_143 = arith.constant 0 : i32
        %dma_start3A_144 = arith.constant 0 : i32
        %dma_start3A_145 = tpu.memref_slice %arg2[%dma_start3A_143, %dma_start3A_144] : memref<1000000x32xf32, #tpu.memory_space<hbm>> -> memref<1000000x32xf32, #tpu.memory_space<hbm>>
        tpu.enqueue_indirect_dma source(%dma_start3A_145 : memref<1000000x32xf32, #tpu.memory_space<hbm>>) target(%arg8 : memref<128x32xf32, #tpu.memory_space<vmem>>) offsets(%dma_start3A_142 : memref<128xi32, #tpu.memory_space<vmem>>) semaphore(%arg14 : memref<!tpu.dma_semaphore, #tpu.memory_space<semaphore_mem>>)
        %dma_start3A_146 = arith.constant 0 : i32
        %dma_start3A_147 = tpu.memref_slice %arg7[%add3A_139, %dma_start3A_146] : memref<50x128xi32, #tpu.memory_space<vmem>> -> memref<1x128xi32, #tpu.memory_space<vmem>>
        %dma_start3A_148 = tpu.memref_squeeze %dma_start3A_147 : memref<1x128xi32, #tpu.memory_space<vmem>> -> memref<128xi32, #tpu.memory_space<vmem>>
        %dma_start3A_149 = arith.constant 0 : i32
        %dma_start3A_150 = arith.constant 0 : i32
        %dma_start3A_151 = tpu.memref_slice %arg2[%dma_start3A_149, %dma_start3A_150] : memref<1000000x32xf32, #tpu.memory_space<hbm>> -> memref<1000000x32xf32, #tpu.memory_space<hbm>>
        tpu.enqueue_indirect_dma source(%dma_start3A_151 : memref<1000000x32xf32, #tpu.memory_space<hbm>>) target(%arg10 : memref<128x32xf32, #tpu.memory_space<vmem>>) offsets(%dma_start3A_148 : memref<128xi32, #tpu.memory_space<vmem>>) semaphore(%arg14 : memref<!tpu.dma_semaphore, #tpu.memory_space<semaphore_mem>>)
      } else {
      }
      %scan3A_110 = arith.constant 0 : i32
      %scan3A_111 = arith.constant 0 : i32
      %scan3A_112 = arith.constant 32 : i32
      %scan3A_113 = arith.addi %scan3A_111, %scan3A_112 : i32
      %scan3A_114 = arith.constant 1 : i32
      scf.for %scan3A_138 = %scan3A_111 to %scan3A_113 step %scan3A_114  : i32 {
        %mul3A_139 = arith.constant 4 : i32
        %mul3A_140 = arith.muli %scan3A_138, %mul3A_139 : i32
        %add3A_141 = arith.constant 0 : i32
        %add3A_142 = arith.addi %mul3A_140, %add3A_141 : i32
        %get3A = arith.index_cast %add3A_142 : i32 to index
        %get3A_143 = arith.constant 0 : index
        %get3A_144 = tpu.vector_load %arg9[%get3A, %get3A_143] {strides = array<i32>} : memref<128x32xf32, #tpu.memory_space<vmem>>, vector<1x16xf32>,
        %get3A_145 = vector.shape_cast %get3A_144 : vector<1x16xf32> to vector<16xf32>
        %add3A_146 = arith.constant 0 : i32
        %add3A_147 = arith.addi %mul3A_140, %add3A_146 : i32
        %get3A_148 = arith.index_cast %add3A_147 : i32 to index
        %get3A_149 = arith.constant 0 : index
        %get3A_150 = tpu.vector_load %arg11[%get3A_148, %get3A_149] {strides = array<i32>} : memref<128x32xf32, #tpu.memory_space<vmem>>, vector<1x16xf32>,
        %get3A_151 = vector.shape_cast %get3A_150 : vector<1x16xf32> to vector<16xf32>
        %sub3A = arith.subf %get3A_145, %get3A_151 : vector<16xf32>
        %add3A_152 = arith.constant 0 : i32
        %add3A_153 = arith.addi %mul3A_140, %add3A_152 : i32
        %swap3A = arith.index_cast %add3A_153 : i32 to index
        %swap3A_154 = arith.constant 0 : index
        %swap3A_155 = tpu.vector_load %arg13[%swap3A, %swap3A_154] {strides = array<i32>} : memref<128x32xf32, #tpu.memory_space<vmem>>, vector<1x16xf32>,
        %swap3A_156 = vector.shape_cast %swap3A_155 : vector<1x16xf32> to vector<16xf32>
        %swap3A_157 = vector.shape_cast %sub3A : vector<16xf32> to vector<1x16xf32>
        tpu.vector_store %arg13[%swap3A, %swap3A_154], %swap3A_157 {strides = array<i32>} : memref<128x32xf32, #tpu.memory_space<vmem>>, vector<1x16xf32>,
        %add3A_158 = arith.constant 0 : i32
        %add3A_159 = arith.addi %mul3A_140, %add3A_158 : i32
        %get3A_160 = arith.index_cast %add3A_159 : i32 to index
        %get3A_161 = arith.constant 16 : index
        %get3A_162 = tpu.vector_load %arg9[%get3A_160, %get3A_161] {strides = array<i32>} : memref<128x32xf32, #tpu.memory_space<vmem>>, vector<1x16xf32>,
        %get3A_163 = vector.shape_cast %get3A_162 : vector<1x16xf32> to vector<16xf32>
        %add3A_164 = arith.constant 0 : i32
        %add3A_165 = arith.addi %mul3A_140, %add3A_164 : i32
        %get3A_166 = arith.index_cast %add3A_165 : i32 to index
        %get3A_167 = arith.constant 16 : index
        %get3A_168 = tpu.vector_load %arg11[%get3A_166, %get3A_167] {strides = array<i32>} : memref<128x32xf32, #tpu.memory_space<vmem>>, vector<1x16xf32>,
        %get3A_169 = vector.shape_cast %get3A_168 : vector<1x16xf32> to vector<16xf32>
        %sub3A_170 = arith.subf %get3A_163, %get3A_169 : vector<16xf32>
        %add3A_171 = arith.constant 0 : i32
        %add3A_172 = arith.addi %mul3A_140, %add3A_171 : i32
        %swap3A_173 = arith.index_cast %add3A_172 : i32 to index
        %swap3A_174 = arith.constant 16 : index
        %swap3A_175 = tpu.vector_load %arg13[%swap3A_173, %swap3A_174] {strides = array<i32>} : memref<128x32xf32, #tpu.memory_space<vmem>>, vector<1x16xf32>,
        %swap3A_176 = vector.shape_cast %swap3A_175 : vector<1x16xf32> to vector<16xf32>
        %swap3A_177 = vector.shape_cast %sub3A_170 : vector<16xf32> to vector<1x16xf32>
        tpu.vector_store %arg13[%swap3A_173, %swap3A_174], %swap3A_177 {strides = array<i32>} : memref<128x32xf32, #tpu.memory_space<vmem>>, vector<1x16xf32>,
        %add3A_178 = arith.constant 1 : i32
        %add3A_179 = arith.addi %mul3A_140, %add3A_178 : i32
        %get3A_180 = arith.index_cast %add3A_179 : i32 to index
        %get3A_181 = arith.constant 0 : index
        %get3A_182 = tpu.vector_load %arg9[%get3A_180, %get3A_181] {strides = array<i32>} : memref<128x32xf32, #tpu.memory_space<vmem>>, vector<1x16xf32>,
        %get3A_183 = vector.shape_cast %get3A_182 : vector<1x16xf32> to vector<16xf32>
        %add3A_184 = arith.constant 1 : i32
        %add3A_185 = arith.addi %mul3A_140, %add3A_184 : i32
        %get3A_186 = arith.index_cast %add3A_185 : i32 to index
        %get3A_187 = arith.constant 0 : index
        %get3A_188 = tpu.vector_load %arg11[%get3A_186, %get3A_187] {strides = array<i32>} : memref<128x32xf32, #tpu.memory_space<vmem>>, vector<1x16xf32>,
        %get3A_189 = vector.shape_cast %get3A_188 : vector<1x16xf32> to vector<16xf32>
        %sub3A_190 = arith.subf %get3A_183, %get3A_189 : vector<16xf32>
        %add3A_191 = arith.constant 1 : i32
        %add3A_192 = arith.addi %mul3A_140, %add3A_191 : i32
        %swap3A_193 = arith.index_cast %add3A_192 : i32 to index
        %swap3A_194 = arith.constant 0 : index
        %swap3A_195 = tpu.vector_load %arg13[%swap3A_193, %swap3A_194] {strides = array<i32>} : memref<128x32xf32, #tpu.memory_space<vmem>>, vector<1x16xf32>,
        %swap3A_196 = vector.shape_cast %swap3A_195 : vector<1x16xf32> to vector<16xf32>
        %swap3A_197 = vector.shape_cast %sub3A_190 : vector<16xf32> to vector<1x16xf32>
        tpu.vector_store %arg13[%swap3A_193, %swap3A_194], %swap3A_197 {strides = array<i32>} : memref<128x32xf32, #tpu.memory_space<vmem>>, vector<1x16xf32>,
        %add3A_198 = arith.constant 1 : i32
        %add3A_199 = arith.addi %mul3A_140, %add3A_198 : i32
        %get3A_200 = arith.index_cast %add3A_199 : i32 to index
        %get3A_201 = arith.constant 16 : index
        %get3A_202 = tpu.vector_load %arg9[%get3A_200, %get3A_201] {strides = array<i32>} : memref<128x32xf32, #tpu.memory_space<vmem>>, vector<1x16xf32>,
        %get3A_203 = vector.shape_cast %get3A_202 : vector<1x16xf32> to vector<16xf32>
        %add3A_204 = arith.constant 1 : i32
        %add3A_205 = arith.addi %mul3A_140, %add3A_204 : i32
        %get3A_206 = arith.index_cast %add3A_205 : i32 to index
        %get3A_207 = arith.constant 16 : index
        %get3A_208 = tpu.vector_load %arg11[%get3A_206, %get3A_207] {strides = array<i32>} : memref<128x32xf32, #tpu.memory_space<vmem>>, vector<1x16xf32>,
        %get3A_209 = vector.shape_cast %get3A_208 : vector<1x16xf32> to vector<16xf32>
        %sub3A_210 = arith.subf %get3A_203, %get3A_209 : vector<16xf32>
        %add3A_211 = arith.constant 1 : i32
        %add3A_212 = arith.addi %mul3A_140, %add3A_211 : i32
        %swap3A_213 = arith.index_cast %add3A_212 : i32 to index
        %swap3A_214 = arith.constant 16 : index
        %swap3A_215 = tpu.vector_load %arg13[%swap3A_213, %swap3A_214] {strides = array<i32>} : memref<128x32xf32, #tpu.memory_space<vmem>>, vector<1x16xf32>,
        %swap3A_216 = vector.shape_cast %swap3A_215 : vector<1x16xf32> to vector<16xf32>
        %swap3A_217 = vector.shape_cast %sub3A_210 : vector<16xf32> to vector<1x16xf32>
        tpu.vector_store %arg13[%swap3A_213, %swap3A_214], %swap3A_217 {strides = array<i32>} : memref<128x32xf32, #tpu.memory_space<vmem>>, vector<1x16xf32>,
        %add3A_218 = arith.constant 2 : i32
        %add3A_219 = arith.addi %mul3A_140, %add3A_218 : i32
        %get3A_220 = arith.index_cast %add3A_219 : i32 to index
        %get3A_221 = arith.constant 0 : index
        %get3A_222 = tpu.vector_load %arg9[%get3A_220, %get3A_221] {strides = array<i32>} : memref<128x32xf32, #tpu.memory_space<vmem>>, vector<1x16xf32>,
        %get3A_223 = vector.shape_cast %get3A_222 : vector<1x16xf32> to vector<16xf32>
        %add3A_224 = arith.constant 2 : i32
        %add3A_225 = arith.addi %mul3A_140, %add3A_224 : i32
        %get3A_226 = arith.index_cast %add3A_225 : i32 to index
        %get3A_227 = arith.constant 0 : index
        %get3A_228 = tpu.vector_load %arg11[%get3A_226, %get3A_227] {strides = array<i32>} : memref<128x32xf32, #tpu.memory_space<vmem>>, vector<1x16xf32>,
        %get3A_229 = vector.shape_cast %get3A_228 : vector<1x16xf32> to vector<16xf32>
        %sub3A_230 = arith.subf %get3A_223, %get3A_229 : vector<16xf32>
        %add3A_231 = arith.constant 2 : i32
        %add3A_232 = arith.addi %mul3A_140, %add3A_231 : i32
        %swap3A_233 = arith.index_cast %add3A_232 : i32 to index
        %swap3A_234 = arith.constant 0 : index
        %swap3A_235 = tpu.vector_load %arg13[%swap3A_233, %swap3A_234] {strides = array<i32>} : memref<128x32xf32, #tpu.memory_space<vmem>>, vector<1x16xf32>,
        %swap3A_236 = vector.shape_cast %swap3A_235 : vector<1x16xf32> to vector<16xf32>
        %swap3A_237 = vector.shape_cast %sub3A_230 : vector<16xf32> to vector<1x16xf32>
        tpu.vector_store %arg13[%swap3A_233, %swap3A_234], %swap3A_237 {strides = array<i32>} : memref<128x32xf32, #tpu.memory_space<vmem>>, vector<1x16xf32>,
        %add3A_238 = arith.constant 2 : i32
        %add3A_239 = arith.addi %mul3A_140, %add3A_238 : i32
        %get3A_240 = arith.index_cast %add3A_239 : i32 to index
        %get3A_241 = arith.constant 16 : index
        %get3A_242 = tpu.vector_load %arg9[%get3A_240, %get3A_241] {strides = array<i32>} : memref<128x32xf32, #tpu.memory_space<vmem>>, vector<1x16xf32>,
        %get3A_243 = vector.shape_cast %get3A_242 : vector<1x16xf32> to vector<16xf32>
        %add3A_244 = arith.constant 2 : i32
        %add3A_245 = arith.addi %mul3A_140, %add3A_244 : i32
        %get3A_246 = arith.index_cast %add3A_245 : i32 to index
        %get3A_247 = arith.constant 16 : index
        %get3A_248 = tpu.vector_load %arg11[%get3A_246, %get3A_247] {strides = array<i32>} : memref<128x32xf32, #tpu.memory_space<vmem>>, vector<1x16xf32>,
        %get3A_249 = vector.shape_cast %get3A_248 : vector<1x16xf32> to vector<16xf32>
        %sub3A_250 = arith.subf %get3A_243, %get3A_249 : vector<16xf32>
        %add3A_251 = arith.constant 2 : i32
        %add3A_252 = arith.addi %mul3A_140, %add3A_251 : i32
        %swap3A_253 = arith.index_cast %add3A_252 : i32 to index
        %swap3A_254 = arith.constant 16 : index
        %swap3A_255 = tpu.vector_load %arg13[%swap3A_253, %swap3A_254] {strides = array<i32>} : memref<128x32xf32, #tpu.memory_space<vmem>>, vector<1x16xf32>,
        %swap3A_256 = vector.shape_cast %swap3A_255 : vector<1x16xf32> to vector<16xf32>
        %swap3A_257 = vector.shape_cast %sub3A_250 : vector<16xf32> to vector<1x16xf32>
        tpu.vector_store %arg13[%swap3A_253, %swap3A_254], %swap3A_257 {strides = array<i32>} : memref<128x32xf32, #tpu.memory_space<vmem>>, vector<1x16xf32>,
        %add3A_258 = arith.constant 3 : i32
        %add3A_259 = arith.addi %mul3A_140, %add3A_258 : i32
        %get3A_260 = arith.index_cast %add3A_259 : i32 to index
        %get3A_261 = arith.constant 0 : index
        %get3A_262 = tpu.vector_load %arg9[%get3A_260, %get3A_261] {strides = array<i32>} : memref<128x32xf32, #tpu.memory_space<vmem>>, vector<1x16xf32>,
        %get3A_263 = vector.shape_cast %get3A_262 : vector<1x16xf32> to vector<16xf32>
        %add3A_264 = arith.constant 3 : i32
        %add3A_265 = arith.addi %mul3A_140, %add3A_264 : i32
        %get3A_266 = arith.index_cast %add3A_265 : i32 to index
        %get3A_267 = arith.constant 0 : index
        %get3A_268 = tpu.vector_load %arg11[%get3A_266, %get3A_267] {strides = array<i32>} : memref<128x32xf32, #tpu.memory_space<vmem>>, vector<1x16xf32>,
        %get3A_269 = vector.shape_cast %get3A_268 : vector<1x16xf32> to vector<16xf32>
        %sub3A_270 = arith.subf %get3A_263, %get3A_269 : vector<16xf32>
        %add3A_271 = arith.constant 3 : i32
        %add3A_272 = arith.addi %mul3A_140, %add3A_271 : i32
        %swap3A_273 = arith.index_cast %add3A_272 : i32 to index
        %swap3A_274 = arith.constant 0 : index
        %swap3A_275 = tpu.vector_load %arg13[%swap3A_273, %swap3A_274] {strides = array<i32>} : memref<128x32xf32, #tpu.memory_space<vmem>>, vector<1x16xf32>,
        %swap3A_276 = vector.shape_cast %swap3A_275 : vector<1x16xf32> to vector<16xf32>
        %swap3A_277 = vector.shape_cast %sub3A_270 : vector<16xf32> to vector<1x16xf32>
        tpu.vector_store %arg13[%swap3A_273, %swap3A_274], %swap3A_277 {strides = array<i32>} : memref<128x32xf32, #tpu.memory_space<vmem>>, vector<1x16xf32>,
        %add3A_278 = arith.constant 3 : i32
        %add3A_279 = arith.addi %mul3A_140, %add3A_278 : i32
        %get3A_280 = arith.index_cast %add3A_279 : i32 to index
        %get3A_281 = arith.constant 16 : index
        %get3A_282 = tpu.vector_load %arg9[%get3A_280, %get3A_281] {strides = array<i32>} : memref<128x32xf32, #tpu.memory_space<vmem>>, vector<1x16xf32>,
        %get3A_283 = vector.shape_cast %get3A_282 : vector<1x16xf32> to vector<16xf32>
        %add3A_284 = arith.constant 3 : i32
        %add3A_285 = arith.addi %mul3A_140, %add3A_284 : i32
        %get3A_286 = arith.index_cast %add3A_285 : i32 to index
        %get3A_287 = arith.constant 16 : index
        %get3A_288 = tpu.vector_load %arg11[%get3A_286, %get3A_287] {strides = array<i32>} : memref<128x32xf32, #tpu.memory_space<vmem>>, vector<1x16xf32>,
        %get3A_289 = vector.shape_cast %get3A_288 : vector<1x16xf32> to vector<16xf32>
        %sub3A_290 = arith.subf %get3A_283, %get3A_289 : vector<16xf32>
        %add3A_291 = arith.constant 3 : i32
        %add3A_292 = arith.addi %mul3A_140, %add3A_291 : i32
        %swap3A_293 = arith.index_cast %add3A_292 : i32 to index
        %swap3A_294 = arith.constant 16 : index
        %swap3A_295 = tpu.vector_load %arg13[%swap3A_293, %swap3A_294] {strides = array<i32>} : memref<128x32xf32, #tpu.memory_space<vmem>>, vector<1x16xf32>,
        %swap3A_296 = vector.shape_cast %swap3A_295 : vector<1x16xf32> to vector<16xf32>
        %swap3A_297 = vector.shape_cast %sub3A_290 : vector<16xf32> to vector<1x16xf32>
        tpu.vector_store %arg13[%swap3A_293, %swap3A_294], %swap3A_297 {strides = array<i32>} : memref<128x32xf32, #tpu.memory_space<vmem>>, vector<1x16xf32>,
      }
      %scan3A_115 = arith.constant 32 : i32
      %add3A_116 = arith.constant 1 : i32
      %add3A_117 = arith.addi %mul3A_32, %add3A_116 : i32
      %mul3A_118 = arith.constant 50 : i32
      %mul3A_119 = arith.muli %add3A, %mul3A_118 : i32
      %add3A_120 = arith.addi %mul3A_119, %add3A_117 : i32
      %shift_right_arithmetic3A_121 = arith.constant 4 : i32
      %shift_right_arithmetic3A_122 = arith.shrsi %add3A_120, %shift_right_arithmetic3A_121 : i32
      %mul3A_123 = arith.constant 512 : i32
      %mul3A_124 = arith.muli %shift_right_arithmetic3A_122, %mul3A_123 : i32
      %and3A_125 = arith.constant 3 : i32
      %and3A_126 = arith.andi %add3A_120, %and3A_125 : i32
      %mul3A_127 = arith.constant 128 : i32
      %mul3A_128 = arith.muli %and3A_126, %mul3A_127 : i32
      %add3A_129 = arith.addi %mul3A_124, %mul3A_128 : i32
      %shift_right_arithmetic3A_130 = arith.constant 2 : i32
      %shift_right_arithmetic3A_131 = arith.shrsi %add3A_120, %shift_right_arithmetic3A_130 : i32
      %and3A_132 = arith.constant 3 : i32
      %and3A_133 = arith.andi %shift_right_arithmetic3A_131, %and3A_132 : i32
      %mul3A_134 = arith.constant 32 : i32
      %mul3A_135 = arith.muli %and3A_133, %mul3A_134 : i32
      %dma_start3A_136 = tpu.memref_slice %arg5[%add3A_129, %mul3A_135] : memref<51200x128xf32, #tpu.memory_space<hbm>> -> memref<128x32xf32, #tpu.memory_space<hbm>>
      %dma_start3A_137 = tpu.memref_slice %arg5[%add3A_129, %mul3A_135] : memref<51200x128xf32, #tpu.memory_space<hbm>> -> memref<128x32xf32, #tpu.memory_space<hbm>>
      tpu.enqueue_dma source(%arg13 : memref<128x32xf32, #tpu.memory_space<vmem>>) target(%dma_start3A_137 : memref<128x32xf32, #tpu.memory_space<hbm>>) target_semaphore(%arg17 : memref<!tpu.dma_semaphore, #tpu.memory_space<semaphore_mem>>)
    }
    %scan3A_18 = arith.constant 25 : i32
    %dma_wait3A = arith.constant 0 : i32
    %dma_wait3A_19 = arith.constant 0 : i32
    %dma_wait3A_20 = tpu.memref_slice %arg5[%dma_wait3A, %dma_wait3A_19] : memref<51200x128xf32, #tpu.memory_space<hbm>> -> memref<128x32xf32, #tpu.memory_space<hbm>>
    %dma_wait3A_21 = arith.constant 0 : i32
    %dma_wait3A_22 = arith.constant 0 : i32
    %dma_wait3A_23 = tpu.memref_slice %arg5[%dma_wait3A_21, %dma_wait3A_22] : memref<51200x128xf32, #tpu.memory_space<hbm>> -> memref<128x32xf32, #tpu.memory_space<hbm>>
    tpu.wait_dma2 semaphore(%arg16 : memref<!tpu.dma_semaphore, #tpu.memory_space<semaphore_mem>>) src(%arg12 : memref<128x32xf32, #tpu.memory_space<vmem>>) dst(%dma_wait3A_23 : memref<128x32xf32, #tpu.memory_space<hbm>>)
    %dma_wait3A_24 = arith.constant 0 : i32
    %dma_wait3A_25 = arith.constant 0 : i32
    %dma_wait3A_26 = tpu.memref_slice %arg5[%dma_wait3A_24, %dma_wait3A_25] : memref<51200x128xf32, #tpu.memory_space<hbm>> -> memref<128x32xf32, #tpu.memory_space<hbm>>
    %dma_wait3A_27 = arith.constant 0 : i32
    %dma_wait3A_28 = arith.constant 0 : i32
    %dma_wait3A_29 = tpu.memref_slice %arg5[%dma_wait3A_27, %dma_wait3A_28] : memref<51200x128xf32, #tpu.memory_space<hbm>> -> memref<128x32xf32, #tpu.memory_space<hbm>>
    tpu.wait_dma2 semaphore(%arg17 : memref<!tpu.dma_semaphore, #tpu.memory_space<semaphore_mem>>) src(%arg13 : memref<128x32xf32, #tpu.memory_space<vmem>>) dst(%dma_wait3A_29 : memref<128x32xf32, #tpu.memory_space<hbm>>)
    return
  }
}

module attributes {stable_mosaic.version = 14 : i64} {
  func.func @body(%arg0: i32, %arg1: memref<512x128xf32, #tpu.memory_space<vmem>>, %arg2: memref<1x8x512xi32, #tpu.memory_space<vmem>>, %arg3: memref<32x1024xf32, #tpu.memory_space<vmem>>, %arg4: memref<32x64xf32, #tpu.memory_space<vmem>>, %arg5: memref<1x1xf32, #tpu.memory_space<vmem>>) attributes {dimension_semantics = [#tpu.dimension_semantics<arbitrary>], iteration_bounds = array<i64: 100>, scalar_prefetch = 0 : i64, scratch_operands = 0 : i64, tpu.core_type = #tpu.core_type<tc>, window_params = [{transform_indices = @transform_0, window_bounds = array<i64: 512, 128>}, {transform_indices = @transform_1, window_bounds = array<i64: 1, 8, 512>}, {pipeline_mode = #tpu.pipeline_mode<synchronous>, transform_indices = @transform_2, window_bounds = array<i64: 32, 1024>}, {pipeline_mode = #tpu.pipeline_mode<synchronous>, transform_indices = @transform_3, window_bounds = array<i64: 32, 64>}, {pipeline_mode = #tpu.pipeline_mode<synchronous>, transform_indices = @transform_4, window_bounds = array<i64: 1, 1>}]} {
    %get3A = arith.constant 0 : index
    %get3A_0 = arith.constant 0 : index
    %get3A_1 = vector.load %arg1[%get3A, %get3A_0] : memref<512x128xf32, #tpu.memory_space<vmem>>, vector<512x128xf32>
    %transpose3A = tpu.transpose %get3A_1, [1, 0] : vector<512x128xf32> -> vector<128x512xf32>
    %iota3A = tpu.iota {dimensions = array<i32: 0>} : vector<1024x512xi32>
    %shift_right_logical3A = arith.constant 5 : i32
    %shift_right_logical3A_2 = vector.broadcast %shift_right_logical3A : i32 to vector<1024x512xi32>
    %shift_right_logical3A_3 = arith.shrui %iota3A, %shift_right_logical3A_2 : vector<1024x512xi32>
    %iota3A_4 = tpu.iota {dimensions = array<i32: 0>} : vector<64x512xi32>
    %iota3A_5 = tpu.iota {dimensions = array<i32: 1>} : vector<1x512xi32>
    %get3A_6 = arith.constant 0 : index
    %get3A_7 = arith.constant 0 : index
    %get3A_8 = vector.load %arg3[%get3A_6, %get3A_7] : memref<32x1024xf32, #tpu.memory_space<vmem>>, vector<32x1024xf32>
    %convert_element_type3A = arith.truncf %get3A_8 : vector<32x1024xf32> to vector<32x1024xbf16>
    %get3A_9 = arith.constant 0 : index
    %get3A_10 = arith.constant 0 : index
    %get3A_11 = vector.load %arg4[%get3A_9, %get3A_10] : memref<32x64xf32, #tpu.memory_space<vmem>>, vector<32x64xf32>
    %slice3A = vector.extract_strided_slice %transpose3A {offsets = [0, 0], sizes = [32, 512], strides = [1, 1]} : vector<128x512xf32> to vector<32x512xf32>
    %convert_element_type3A_12 = arith.truncf %slice3A : vector<32x512xf32> to vector<32x512xbf16>
    %get3A_13 = arith.constant 0 : index
    %get3A_14 = arith.constant 0 : index
    %get3A_15 = arith.constant 0 : index
    %get3A_16 = vector.load %arg2[%get3A_13, %get3A_14, %get3A_15] : memref<1x8x512xi32, #tpu.memory_space<vmem>>, vector<1x1x512xi32>
    %get3A_17 = vector.shape_cast %get3A_16 : vector<1x1x512xi32> to vector<512xi32>
    %shift_right_logical3A_18 = arith.constant 1 : i32
    %shift_right_logical3A_19 = vector.broadcast %shift_right_logical3A_18 : i32 to vector<512xi32>
    %shift_right_logical3A_20 = arith.shrui %get3A_17, %shift_right_logical3A_19 : vector<512xi32>
    %concatenate3A = tpu.concatenate %convert_element_type3A_12, %convert_element_type3A_12, %convert_element_type3A_12, %convert_element_type3A_12, %convert_element_type3A_12, %convert_element_type3A_12, %convert_element_type3A_12, %convert_element_type3A_12, %convert_element_type3A_12, %convert_element_type3A_12, %convert_element_type3A_12, %convert_element_type3A_12, %convert_element_type3A_12, %convert_element_type3A_12, %convert_element_type3A_12, %convert_element_type3A_12, %convert_element_type3A_12, %convert_element_type3A_12, %convert_element_type3A_12, %convert_element_type3A_12, %convert_element_type3A_12, %convert_element_type3A_12, %convert_element_type3A_12, %convert_element_type3A_12, %convert_element_type3A_12, %convert_element_type3A_12, %convert_element_type3A_12, %convert_element_type3A_12, %convert_element_type3A_12, %convert_element_type3A_12, %convert_element_type3A_12, %convert_element_type3A_12 in 0 : vector<32x512xbf16>, vector<32x512xbf16>, vector<32x512xbf16>, vector<32x512xbf16>, vector<32x512xbf16>, vector<32x512xbf16>, vector<32x512xbf16>, vector<32x512xbf16>, vector<32x512xbf16>, vector<32x512xbf16>, vector<32x512xbf16>, vector<32x512xbf16>, vector<32x512xbf16>, vector<32x512xbf16>, vector<32x512xbf16>, vector<32x512xbf16>, vector<32x512xbf16>, vector<32x512xbf16>, vector<32x512xbf16>, vector<32x512xbf16>, vector<32x512xbf16>, vector<32x512xbf16>, vector<32x512xbf16>, vector<32x512xbf16>, vector<32x512xbf16>, vector<32x512xbf16>, vector<32x512xbf16>, vector<32x512xbf16>, vector<32x512xbf16>, vector<32x512xbf16>, vector<32x512xbf16>, vector<32x512xbf16> -> vector<1024x512xbf16>
    %broadcast_in_dim3A = vector.shape_cast %shift_right_logical3A_20 : vector<512xi32> to vector<1x512xi32>
    %eq3A = vector.broadcast %broadcast_in_dim3A : vector<1x512xi32> to vector<1024x512xi32>
    %eq3A_21 = arith.cmpi eq, %shift_right_logical3A_3, %eq3A : vector<1024x512xi32>
    %jit3A = arith.constant 0.000000e+00 : bf16
    %broadcast_in_dim3A_22 = vector.broadcast %jit3A : bf16 to vector<1024x512xbf16>
    %select_n3A = arith.select %eq3A_21, %concatenate3A, %broadcast_in_dim3A_22 : vector<1024x512xi1>, vector<1024x512xbf16>
    %dot_general3A = arith.constant dense<0.000000e+00> : vector<32x512xf32>
    %dot_general3A_23 = tpu.matmul %convert_element_type3A, %select_n3A, %dot_general3A {dimension_numbers = #tpu.dot_dimension_numbers<[1], [0], [0], [1], [0, 0, 1, 1], [], []>, transpose_lhs_hint = false} : vector<32x1024xbf16>, vector<1024x512xbf16>, vector<32x512xf32> -> vector<32x512xf32>
    %broadcast_in_dim3A_24 = vector.shape_cast %get3A_17 : vector<512xi32> to vector<1x512xi32>
    %eq3A_25 = vector.broadcast %broadcast_in_dim3A_24 : vector<1x512xi32> to vector<64x512xi32>
    %eq3A_26 = arith.cmpi eq, %iota3A_4, %eq3A_25 : vector<64x512xi32>
    %convert_element_type3A_27 = arith.extui %eq3A_26 : vector<64x512xi1> to vector<64x512xi32>
    %convert_element_type3A_28 = arith.sitofp %convert_element_type3A_27 : vector<64x512xi32> to vector<64x512xf32>
    %dot_general3A_29 = arith.constant dense<0.000000e+00> : vector<32x512xf32>
    %dot_general3A_30 = tpu.matmul %get3A_11, %convert_element_type3A_28, %dot_general3A_29 {dimension_numbers = #tpu.dot_dimension_numbers<[1], [0], [0], [1], [0, 0, 1, 1], [], []>, transpose_lhs_hint = false} : vector<32x64xf32>, vector<64x512xf32>, vector<32x512xf32> -> vector<32x512xf32>
    %add3A = arith.addf %dot_general3A_23, %dot_general3A_30 : vector<32x512xf32>
    %mul3A = arith.constant 2048 : i32
    %mul3A_31 = arith.muli %arg0, %mul3A : i32
    %add3A_32 = arith.constant 0 : i32
    %add3A_33 = arith.addi %mul3A_31, %add3A_32 : i32
    %add3A_34 = vector.broadcast %add3A_33 : i32 to vector<1x512xi32>
    %add3A_35 = arith.addi %add3A_34, %iota3A_5 : vector<1x512xi32>
    %lt3A = arith.constant 200000 : i32
    %lt3A_36 = vector.broadcast %lt3A : i32 to vector<1x512xi32>
    %lt3A_37 = arith.cmpi slt, %add3A_35, %lt3A_36 : vector<1x512xi32>
    %jit3A_38 = arith.constant 0.000000e+00 : f32
    %broadcast_in_dim3A_39 = vector.shape_cast %lt3A_37 : vector<1x512xi1> to vector<1x512xi1>
    %broadcast_in_dim3A_40 = vector.broadcast %broadcast_in_dim3A_39 : vector<1x512xi1> to vector<32x512xi1>
    %broadcast_in_dim3A_41 = vector.broadcast %jit3A_38 : f32 to vector<32x512xf32>
    %select_n3A_42 = arith.select %broadcast_in_dim3A_40, %add3A, %broadcast_in_dim3A_41 : vector<32x512xi1>, vector<32x512xf32>
    %mul3A_43 = arith.mulf %select_n3A_42, %select_n3A_42 : vector<32x512xf32>
    %reduce_sum3A = vector.shape_cast %mul3A_43 : vector<32x512xf32> to vector<1x32x512xf32>
    %reduce_sum3A_44 = arith.constant dense<0.000000e+00> : vector<1xf32>
    %reduce_sum3A_45 = vector.multi_reduction <add>, %reduce_sum3A, %reduce_sum3A_44 [1, 2] : vector<1x32x512xf32> to vector<1xf32>
    %reduce_sum3A_46 = vector.shape_cast %reduce_sum3A_45 : vector<1xf32> to vector<1x1x1xf32>
    %reduce_sum3A_47 = vector.extract %reduce_sum3A_46[0, 0, 0] : f32 from vector<1x1x1xf32>
    %add3A_48 = arith.constant 0.000000e+00 : f32
    %add3A_49 = arith.addf %add3A_48, %reduce_sum3A_47 : f32
    %slice3A_50 = vector.extract_strided_slice %transpose3A {offsets = [32, 0], sizes = [32, 512], strides = [1, 1]} : vector<128x512xf32> to vector<32x512xf32>
    %convert_element_type3A_51 = arith.truncf %slice3A_50 : vector<32x512xf32> to vector<32x512xbf16>
    %get3A_52 = arith.constant 0 : index
    %get3A_53 = arith.constant 1 : index
    %get3A_54 = arith.constant 0 : index
    %get3A_55 = vector.load %arg2[%get3A_52, %get3A_53, %get3A_54] : memref<1x8x512xi32, #tpu.memory_space<vmem>>, vector<1x1x512xi32>
    %get3A_56 = vector.shape_cast %get3A_55 : vector<1x1x512xi32> to vector<512xi32>
    %shift_right_logical3A_57 = arith.constant 1 : i32
    %shift_right_logical3A_58 = vector.broadcast %shift_right_logical3A_57 : i32 to vector<512xi32>
    %shift_right_logical3A_59 = arith.shrui %get3A_56, %shift_right_logical3A_58 : vector<512xi32>
    %concatenate3A_60 = tpu.concatenate %convert_element_type3A_51, %convert_element_type3A_51, %convert_element_type3A_51, %convert_element_type3A_51, %convert_element_type3A_51, %convert_element_type3A_51, %convert_element_type3A_51, %convert_element_type3A_51, %convert_element_type3A_51, %convert_element_type3A_51, %convert_element_type3A_51, %convert_element_type3A_51, %convert_element_type3A_51, %convert_element_type3A_51, %convert_element_type3A_51, %convert_element_type3A_51, %convert_element_type3A_51, %convert_element_type3A_51, %convert_element_type3A_51, %convert_element_type3A_51, %convert_element_type3A_51, %convert_element_type3A_51, %convert_element_type3A_51, %convert_element_type3A_51, %convert_element_type3A_51, %convert_element_type3A_51, %convert_element_type3A_51, %convert_element_type3A_51, %convert_element_type3A_51, %convert_element_type3A_51, %convert_element_type3A_51, %convert_element_type3A_51 in 0 : vector<32x512xbf16>, vector<32x512xbf16>, vector<32x512xbf16>, vector<32x512xbf16>, vector<32x512xbf16>, vector<32x512xbf16>, vector<32x512xbf16>, vector<32x512xbf16>, vector<32x512xbf16>, vector<32x512xbf16>, vector<32x512xbf16>, vector<32x512xbf16>, vector<32x512xbf16>, vector<32x512xbf16>, vector<32x512xbf16>, vector<32x512xbf16>, vector<32x512xbf16>, vector<32x512xbf16>, vector<32x512xbf16>, vector<32x512xbf16>, vector<32x512xbf16>, vector<32x512xbf16>, vector<32x512xbf16>, vector<32x512xbf16>, vector<32x512xbf16>, vector<32x512xbf16>, vector<32x512xbf16>, vector<32x512xbf16>, vector<32x512xbf16>, vector<32x512xbf16>, vector<32x512xbf16>, vector<32x512xbf16> -> vector<1024x512xbf16>
    %broadcast_in_dim3A_61 = vector.shape_cast %shift_right_logical3A_59 : vector<512xi32> to vector<1x512xi32>
    %eq3A_62 = vector.broadcast %broadcast_in_dim3A_61 : vector<1x512xi32> to vector<1024x512xi32>
    %eq3A_63 = arith.cmpi eq, %shift_right_logical3A_3, %eq3A_62 : vector<1024x512xi32>
    %jit3A_64 = arith.constant 0.000000e+00 : bf16
    %broadcast_in_dim3A_65 = vector.broadcast %jit3A_64 : bf16 to vector<1024x512xbf16>
    %select_n3A_66 = arith.select %eq3A_63, %concatenate3A_60, %broadcast_in_dim3A_65 : vector<1024x512xi1>, vector<1024x512xbf16>
    %dot_general3A_67 = arith.constant dense<0.000000e+00> : vector<32x512xf32>
    %dot_general3A_68 = tpu.matmul %convert_element_type3A, %select_n3A_66, %dot_general3A_67 {dimension_numbers = #tpu.dot_dimension_numbers<[1], [0], [0], [1], [0, 0, 1, 1], [], []>, transpose_lhs_hint = false} : vector<32x1024xbf16>, vector<1024x512xbf16>, vector<32x512xf32> -> vector<32x512xf32>
    %broadcast_in_dim3A_69 = vector.shape_cast %get3A_56 : vector<512xi32> to vector<1x512xi32>
    %eq3A_70 = vector.broadcast %broadcast_in_dim3A_69 : vector<1x512xi32> to vector<64x512xi32>
    %eq3A_71 = arith.cmpi eq, %iota3A_4, %eq3A_70 : vector<64x512xi32>
    %convert_element_type3A_72 = arith.extui %eq3A_71 : vector<64x512xi1> to vector<64x512xi32>
    %convert_element_type3A_73 = arith.sitofp %convert_element_type3A_72 : vector<64x512xi32> to vector<64x512xf32>
    %dot_general3A_74 = arith.constant dense<0.000000e+00> : vector<32x512xf32>
    %dot_general3A_75 = tpu.matmul %get3A_11, %convert_element_type3A_73, %dot_general3A_74 {dimension_numbers = #tpu.dot_dimension_numbers<[1], [0], [0], [1], [0, 0, 1, 1], [], []>, transpose_lhs_hint = false} : vector<32x64xf32>, vector<64x512xf32>, vector<32x512xf32> -> vector<32x512xf32>
    %add3A_76 = arith.addf %dot_general3A_68, %dot_general3A_75 : vector<32x512xf32>
    %mul3A_77 = arith.constant 2048 : i32
    %mul3A_78 = arith.muli %arg0, %mul3A_77 : i32
    %add3A_79 = arith.constant 512 : i32
    %add3A_80 = arith.addi %mul3A_78, %add3A_79 : i32
    %add3A_81 = vector.broadcast %add3A_80 : i32 to vector<1x512xi32>
    %add3A_82 = arith.addi %add3A_81, %iota3A_5 : vector<1x512xi32>
    %lt3A_83 = arith.constant 200000 : i32
    %lt3A_84 = vector.broadcast %lt3A_83 : i32 to vector<1x512xi32>
    %lt3A_85 = arith.cmpi slt, %add3A_82, %lt3A_84 : vector<1x512xi32>
    %jit3A_86 = arith.constant 0.000000e+00 : f32
    %broadcast_in_dim3A_87 = vector.shape_cast %lt3A_85 : vector<1x512xi1> to vector<1x512xi1>
    %broadcast_in_dim3A_88 = vector.broadcast %broadcast_in_dim3A_87 : vector<1x512xi1> to vector<32x512xi1>
    %broadcast_in_dim3A_89 = vector.broadcast %jit3A_86 : f32 to vector<32x512xf32>
    %select_n3A_90 = arith.select %broadcast_in_dim3A_88, %add3A_76, %broadcast_in_dim3A_89 : vector<32x512xi1>, vector<32x512xf32>
    %mul3A_91 = arith.mulf %select_n3A_90, %select_n3A_90 : vector<32x512xf32>
    %reduce_sum3A_92 = vector.shape_cast %mul3A_91 : vector<32x512xf32> to vector<1x32x512xf32>
    %reduce_sum3A_93 = arith.constant dense<0.000000e+00> : vector<1xf32>
    %reduce_sum3A_94 = vector.multi_reduction <add>, %reduce_sum3A_92, %reduce_sum3A_93 [1, 2] : vector<1x32x512xf32> to vector<1xf32>
    %reduce_sum3A_95 = vector.shape_cast %reduce_sum3A_94 : vector<1xf32> to vector<1x1x1xf32>
    %reduce_sum3A_96 = vector.extract %reduce_sum3A_95[0, 0, 0] : f32 from vector<1x1x1xf32>
    %add3A_97 = arith.addf %add3A_49, %reduce_sum3A_96 : f32
    %slice3A_98 = vector.extract_strided_slice %transpose3A {offsets = [64, 0], sizes = [32, 512], strides = [1, 1]} : vector<128x512xf32> to vector<32x512xf32>
    %convert_element_type3A_99 = arith.truncf %slice3A_98 : vector<32x512xf32> to vector<32x512xbf16>
    %get3A_100 = arith.constant 0 : index
    %get3A_101 = arith.constant 2 : index
    %get3A_102 = arith.constant 0 : index
    %get3A_103 = vector.load %arg2[%get3A_100, %get3A_101, %get3A_102] : memref<1x8x512xi32, #tpu.memory_space<vmem>>, vector<1x1x512xi32>
    %get3A_104 = vector.shape_cast %get3A_103 : vector<1x1x512xi32> to vector<512xi32>
    %shift_right_logical3A_105 = arith.constant 1 : i32
    %shift_right_logical3A_106 = vector.broadcast %shift_right_logical3A_105 : i32 to vector<512xi32>
    %shift_right_logical3A_107 = arith.shrui %get3A_104, %shift_right_logical3A_106 : vector<512xi32>
    %concatenate3A_108 = tpu.concatenate %convert_element_type3A_99, %convert_element_type3A_99, %convert_element_type3A_99, %convert_element_type3A_99, %convert_element_type3A_99, %convert_element_type3A_99, %convert_element_type3A_99, %convert_element_type3A_99, %convert_element_type3A_99, %convert_element_type3A_99, %convert_element_type3A_99, %convert_element_type3A_99, %convert_element_type3A_99, %convert_element_type3A_99, %convert_element_type3A_99, %convert_element_type3A_99, %convert_element_type3A_99, %convert_element_type3A_99, %convert_element_type3A_99, %convert_element_type3A_99, %convert_element_type3A_99, %convert_element_type3A_99, %convert_element_type3A_99, %convert_element_type3A_99, %convert_element_type3A_99, %convert_element_type3A_99, %convert_element_type3A_99, %convert_element_type3A_99, %convert_element_type3A_99, %convert_element_type3A_99, %convert_element_type3A_99, %convert_element_type3A_99 in 0 : vector<32x512xbf16>, vector<32x512xbf16>, vector<32x512xbf16>, vector<32x512xbf16>, vector<32x512xbf16>, vector<32x512xbf16>, vector<32x512xbf16>, vector<32x512xbf16>, vector<32x512xbf16>, vector<32x512xbf16>, vector<32x512xbf16>, vector<32x512xbf16>, vector<32x512xbf16>, vector<32x512xbf16>, vector<32x512xbf16>, vector<32x512xbf16>, vector<32x512xbf16>, vector<32x512xbf16>, vector<32x512xbf16>, vector<32x512xbf16>, vector<32x512xbf16>, vector<32x512xbf16>, vector<32x512xbf16>, vector<32x512xbf16>, vector<32x512xbf16>, vector<32x512xbf16>, vector<32x512xbf16>, vector<32x512xbf16>, vector<32x512xbf16>, vector<32x512xbf16>, vector<32x512xbf16>, vector<32x512xbf16> -> vector<1024x512xbf16>
    %broadcast_in_dim3A_109 = vector.shape_cast %shift_right_logical3A_107 : vector<512xi32> to vector<1x512xi32>
    %eq3A_110 = vector.broadcast %broadcast_in_dim3A_109 : vector<1x512xi32> to vector<1024x512xi32>
    %eq3A_111 = arith.cmpi eq, %shift_right_logical3A_3, %eq3A_110 : vector<1024x512xi32>
    %jit3A_112 = arith.constant 0.000000e+00 : bf16
    %broadcast_in_dim3A_113 = vector.broadcast %jit3A_112 : bf16 to vector<1024x512xbf16>
    %select_n3A_114 = arith.select %eq3A_111, %concatenate3A_108, %broadcast_in_dim3A_113 : vector<1024x512xi1>, vector<1024x512xbf16>
    %dot_general3A_115 = arith.constant dense<0.000000e+00> : vector<32x512xf32>
    %dot_general3A_116 = tpu.matmul %convert_element_type3A, %select_n3A_114, %dot_general3A_115 {dimension_numbers = #tpu.dot_dimension_numbers<[1], [0], [0], [1], [0, 0, 1, 1], [], []>, transpose_lhs_hint = false} : vector<32x1024xbf16>, vector<1024x512xbf16>, vector<32x512xf32> -> vector<32x512xf32>
    %broadcast_in_dim3A_117 = vector.shape_cast %get3A_104 : vector<512xi32> to vector<1x512xi32>
    %eq3A_118 = vector.broadcast %broadcast_in_dim3A_117 : vector<1x512xi32> to vector<64x512xi32>
    %eq3A_119 = arith.cmpi eq, %iota3A_4, %eq3A_118 : vector<64x512xi32>
    %convert_element_type3A_120 = arith.extui %eq3A_119 : vector<64x512xi1> to vector<64x512xi32>
    %convert_element_type3A_121 = arith.sitofp %convert_element_type3A_120 : vector<64x512xi32> to vector<64x512xf32>
    %dot_general3A_122 = arith.constant dense<0.000000e+00> : vector<32x512xf32>
    %dot_general3A_123 = tpu.matmul %get3A_11, %convert_element_type3A_121, %dot_general3A_122 {dimension_numbers = #tpu.dot_dimension_numbers<[1], [0], [0], [1], [0, 0, 1, 1], [], []>, transpose_lhs_hint = false} : vector<32x64xf32>, vector<64x512xf32>, vector<32x512xf32> -> vector<32x512xf32>
    %add3A_124 = arith.addf %dot_general3A_116, %dot_general3A_123 : vector<32x512xf32>
    %mul3A_125 = arith.constant 2048 : i32
    %mul3A_126 = arith.muli %arg0, %mul3A_125 : i32
    %add3A_127 = arith.constant 1024 : i32
    %add3A_128 = arith.addi %mul3A_126, %add3A_127 : i32
    %add3A_129 = vector.broadcast %add3A_128 : i32 to vector<1x512xi32>
    %add3A_130 = arith.addi %add3A_129, %iota3A_5 : vector<1x512xi32>
    %lt3A_131 = arith.constant 200000 : i32
    %lt3A_132 = vector.broadcast %lt3A_131 : i32 to vector<1x512xi32>
    %lt3A_133 = arith.cmpi slt, %add3A_130, %lt3A_132 : vector<1x512xi32>
    %jit3A_134 = arith.constant 0.000000e+00 : f32
    %broadcast_in_dim3A_135 = vector.shape_cast %lt3A_133 : vector<1x512xi1> to vector<1x512xi1>
    %broadcast_in_dim3A_136 = vector.broadcast %broadcast_in_dim3A_135 : vector<1x512xi1> to vector<32x512xi1>
    %broadcast_in_dim3A_137 = vector.broadcast %jit3A_134 : f32 to vector<32x512xf32>
    %select_n3A_138 = arith.select %broadcast_in_dim3A_136, %add3A_124, %broadcast_in_dim3A_137 : vector<32x512xi1>, vector<32x512xf32>
    %mul3A_139 = arith.mulf %select_n3A_138, %select_n3A_138 : vector<32x512xf32>
    %reduce_sum3A_140 = vector.shape_cast %mul3A_139 : vector<32x512xf32> to vector<1x32x512xf32>
    %reduce_sum3A_141 = arith.constant dense<0.000000e+00> : vector<1xf32>
    %reduce_sum3A_142 = vector.multi_reduction <add>, %reduce_sum3A_140, %reduce_sum3A_141 [1, 2] : vector<1x32x512xf32> to vector<1xf32>
    %reduce_sum3A_143 = vector.shape_cast %reduce_sum3A_142 : vector<1xf32> to vector<1x1x1xf32>
    %reduce_sum3A_144 = vector.extract %reduce_sum3A_143[0, 0, 0] : f32 from vector<1x1x1xf32>
    %add3A_145 = arith.addf %add3A_97, %reduce_sum3A_144 : f32
    %slice3A_146 = vector.extract_strided_slice %transpose3A {offsets = [96, 0], sizes = [32, 512], strides = [1, 1]} : vector<128x512xf32> to vector<32x512xf32>
    %convert_element_type3A_147 = arith.truncf %slice3A_146 : vector<32x512xf32> to vector<32x512xbf16>
    %get3A_148 = arith.constant 0 : index
    %get3A_149 = arith.constant 3 : index
    %get3A_150 = arith.constant 0 : index
    %get3A_151 = vector.load %arg2[%get3A_148, %get3A_149, %get3A_150] : memref<1x8x512xi32, #tpu.memory_space<vmem>>, vector<1x1x512xi32>
    %get3A_152 = vector.shape_cast %get3A_151 : vector<1x1x512xi32> to vector<512xi32>
    %shift_right_logical3A_153 = arith.constant 1 : i32
    %shift_right_logical3A_154 = vector.broadcast %shift_right_logical3A_153 : i32 to vector<512xi32>
    %shift_right_logical3A_155 = arith.shrui %get3A_152, %shift_right_logical3A_154 : vector<512xi32>
    %concatenate3A_156 = tpu.concatenate %convert_element_type3A_147, %convert_element_type3A_147, %convert_element_type3A_147, %convert_element_type3A_147, %convert_element_type3A_147, %convert_element_type3A_147, %convert_element_type3A_147, %convert_element_type3A_147, %convert_element_type3A_147, %convert_element_type3A_147, %convert_element_type3A_147, %convert_element_type3A_147, %convert_element_type3A_147, %convert_element_type3A_147, %convert_element_type3A_147, %convert_element_type3A_147, %convert_element_type3A_147, %convert_element_type3A_147, %convert_element_type3A_147, %convert_element_type3A_147, %convert_element_type3A_147, %convert_element_type3A_147, %convert_element_type3A_147, %convert_element_type3A_147, %convert_element_type3A_147, %convert_element_type3A_147, %convert_element_type3A_147, %convert_element_type3A_147, %convert_element_type3A_147, %convert_element_type3A_147, %convert_element_type3A_147, %convert_element_type3A_147 in 0 : vector<32x512xbf16>, vector<32x512xbf16>, vector<32x512xbf16>, vector<32x512xbf16>, vector<32x512xbf16>, vector<32x512xbf16>, vector<32x512xbf16>, vector<32x512xbf16>, vector<32x512xbf16>, vector<32x512xbf16>, vector<32x512xbf16>, vector<32x512xbf16>, vector<32x512xbf16>, vector<32x512xbf16>, vector<32x512xbf16>, vector<32x512xbf16>, vector<32x512xbf16>, vector<32x512xbf16>, vector<32x512xbf16>, vector<32x512xbf16>, vector<32x512xbf16>, vector<32x512xbf16>, vector<32x512xbf16>, vector<32x512xbf16>, vector<32x512xbf16>, vector<32x512xbf16>, vector<32x512xbf16>, vector<32x512xbf16>, vector<32x512xbf16>, vector<32x512xbf16>, vector<32x512xbf16>, vector<32x512xbf16> -> vector<1024x512xbf16>
    %broadcast_in_dim3A_157 = vector.shape_cast %shift_right_logical3A_155 : vector<512xi32> to vector<1x512xi32>
    %eq3A_158 = vector.broadcast %broadcast_in_dim3A_157 : vector<1x512xi32> to vector<1024x512xi32>
    %eq3A_159 = arith.cmpi eq, %shift_right_logical3A_3, %eq3A_158 : vector<1024x512xi32>
    %jit3A_160 = arith.constant 0.000000e+00 : bf16
    %broadcast_in_dim3A_161 = vector.broadcast %jit3A_160 : bf16 to vector<1024x512xbf16>
    %select_n3A_162 = arith.select %eq3A_159, %concatenate3A_156, %broadcast_in_dim3A_161 : vector<1024x512xi1>, vector<1024x512xbf16>
    %dot_general3A_163 = arith.constant dense<0.000000e+00> : vector<32x512xf32>
    %dot_general3A_164 = tpu.matmul %convert_element_type3A, %select_n3A_162, %dot_general3A_163 {dimension_numbers = #tpu.dot_dimension_numbers<[1], [0], [0], [1], [0, 0, 1, 1], [], []>, transpose_lhs_hint = false} : vector<32x1024xbf16>, vector<1024x512xbf16>, vector<32x512xf32> -> vector<32x512xf32>
    %broadcast_in_dim3A_165 = vector.shape_cast %get3A_152 : vector<512xi32> to vector<1x512xi32>
    %eq3A_166 = vector.broadcast %broadcast_in_dim3A_165 : vector<1x512xi32> to vector<64x512xi32>
    %eq3A_167 = arith.cmpi eq, %iota3A_4, %eq3A_166 : vector<64x512xi32>
    %convert_element_type3A_168 = arith.extui %eq3A_167 : vector<64x512xi1> to vector<64x512xi32>
    %convert_element_type3A_169 = arith.sitofp %convert_element_type3A_168 : vector<64x512xi32> to vector<64x512xf32>
    %dot_general3A_170 = arith.constant dense<0.000000e+00> : vector<32x512xf32>
    %dot_general3A_171 = tpu.matmul %get3A_11, %convert_element_type3A_169, %dot_general3A_170 {dimension_numbers = #tpu.dot_dimension_numbers<[1], [0], [0], [1], [0, 0, 1, 1], [], []>, transpose_lhs_hint = false} : vector<32x64xf32>, vector<64x512xf32>, vector<32x512xf32> -> vector<32x512xf32>
    %add3A_172 = arith.addf %dot_general3A_164, %dot_general3A_171 : vector<32x512xf32>
    %mul3A_173 = arith.constant 2048 : i32
    %mul3A_174 = arith.muli %arg0, %mul3A_173 : i32
    %add3A_175 = arith.constant 1536 : i32
    %add3A_176 = arith.addi %mul3A_174, %add3A_175 : i32
    %add3A_177 = vector.broadcast %add3A_176 : i32 to vector<1x512xi32>
    %add3A_178 = arith.addi %add3A_177, %iota3A_5 : vector<1x512xi32>
    %lt3A_179 = arith.constant 200000 : i32
    %lt3A_180 = vector.broadcast %lt3A_179 : i32 to vector<1x512xi32>
    %lt3A_181 = arith.cmpi slt, %add3A_178, %lt3A_180 : vector<1x512xi32>
    %jit3A_182 = arith.constant 0.000000e+00 : f32
    %broadcast_in_dim3A_183 = vector.shape_cast %lt3A_181 : vector<1x512xi1> to vector<1x512xi1>
    %broadcast_in_dim3A_184 = vector.broadcast %broadcast_in_dim3A_183 : vector<1x512xi1> to vector<32x512xi1>
    %broadcast_in_dim3A_185 = vector.broadcast %jit3A_182 : f32 to vector<32x512xf32>
    %select_n3A_186 = arith.select %broadcast_in_dim3A_184, %add3A_172, %broadcast_in_dim3A_185 : vector<32x512xi1>, vector<32x512xf32>
    %mul3A_187 = arith.mulf %select_n3A_186, %select_n3A_186 : vector<32x512xf32>
    %reduce_sum3A_188 = vector.shape_cast %mul3A_187 : vector<32x512xf32> to vector<1x32x512xf32>
    %reduce_sum3A_189 = arith.constant dense<0.000000e+00> : vector<1xf32>
    %reduce_sum3A_190 = vector.multi_reduction <add>, %reduce_sum3A_188, %reduce_sum3A_189 [1, 2] : vector<1x32x512xf32> to vector<1xf32>
    %reduce_sum3A_191 = vector.shape_cast %reduce_sum3A_190 : vector<1xf32> to vector<1x1x1xf32>
    %reduce_sum3A_192 = vector.extract %reduce_sum3A_191[0, 0, 0] : f32 from vector<1x1x1xf32>
    %add3A_193 = arith.addf %add3A_145, %reduce_sum3A_192 : f32
    %eq3A_194 = arith.constant 0 : i32
    %eq3A_195 = arith.cmpi eq, %arg0, %eq3A_194 : i32
    %convert_element_type3A_196 = arith.extui %eq3A_195 : i1 to i32
    %cond3A = arith.constant 0 : i32
    %cond3A_197 = arith.cmpi ne, %convert_element_type3A_196, %cond3A : i32
    scf.if %cond3A_197 {
      %broadcast_in_dim3A_210 = arith.constant 0.000000e+00 : f32
      %broadcast_in_dim3A_211 = vector.broadcast %broadcast_in_dim3A_210 : f32 to vector<1x1xf32>
      %swap3A_212 = arith.constant 0 : index
      %swap3A_213 = arith.constant 0 : index
      %swap3A_214 = vector.load %arg5[%swap3A_212, %swap3A_213] : memref<1x1xf32, #tpu.memory_space<vmem>>, vector<1x1xf32>
      tpu.vector_store %arg5[%swap3A_212, %swap3A_213], %broadcast_in_dim3A_211 {strides = array<i32>} : memref<1x1xf32, #tpu.memory_space<vmem>>, vector<1x1xf32>,
    } else {
    }
    %get3A_198 = arith.constant 0 : index
    %get3A_199 = arith.constant 0 : index
    %get3A_200 = vector.load %arg5[%get3A_198, %get3A_199] : memref<1x1xf32, #tpu.memory_space<vmem>>, vector<1x1xf32>
    %add3A_201 = vector.broadcast %add3A_193 : f32 to vector<1x1xf32>
    %add3A_202 = arith.addf %get3A_200, %add3A_201 : vector<1x1xf32>
    %swap3A = arith.constant 0 : index
    %swap3A_203 = arith.constant 0 : index
    %swap3A_204 = vector.load %arg5[%swap3A, %swap3A_203] : memref<1x1xf32, #tpu.memory_space<vmem>>, vector<1x1xf32>
    tpu.vector_store %arg5[%swap3A, %swap3A_203], %add3A_202 {strides = array<i32>} : memref<1x1xf32, #tpu.memory_space<vmem>>, vector<1x1xf32>,
    %eq3A_205 = arith.constant 99 : i32
    %eq3A_206 = arith.cmpi eq, %arg0, %eq3A_205 : i32
    %convert_element_type3A_207 = arith.extui %eq3A_206 : i1 to i32
    %cond3A_208 = arith.constant 0 : i32
    %cond3A_209 = arith.cmpi ne, %convert_element_type3A_207, %cond3A_208 : i32
    scf.if %cond3A_209 {
      %get3A_210 = arith.constant 0 : index
      %get3A_211 = arith.constant 0 : index
      %get3A_212 = vector.load %arg5[%get3A_210, %get3A_211] : memref<1x1xf32, #tpu.memory_space<vmem>>, vector<1x1xf32>
      %mul3A_213 = arith.constant 1.562500e-07 : f32
      %mul3A_214 = vector.broadcast %mul3A_213 : f32 to vector<1x1xf32>
      %mul3A_215 = arith.mulf %get3A_212, %mul3A_214 : vector<1x1xf32>
      %swap3A_216 = arith.constant 0 : index
      %swap3A_217 = arith.constant 0 : index
      %swap3A_218 = vector.load %arg5[%swap3A_216, %swap3A_217] : memref<1x1xf32, #tpu.memory_space<vmem>>, vector<1x1xf32>
      tpu.vector_store %arg5[%swap3A_216, %swap3A_217], %mul3A_215 {strides = array<i32>} : memref<1x1xf32, #tpu.memory_space<vmem>>, vector<1x1xf32>,
    } else {
    }
    return
  }
  func.func @transform_0(%arg0: i32) -> (i32, i32) {
    %c0_i32 = arith.constant 0 : i32
    %c0_i32_0 = arith.constant 0 : i32
    return %arg0, %c0_i32 : i32, i32
  }
  func.func @transform_1(%arg0: i32) -> (i32, i32, i32) {
    %c0_i32 = arith.constant 0 : i32
    %c0_i32_0 = arith.constant 0 : i32
    %c0_i32_1 = arith.constant 0 : i32
    return %arg0, %c0_i32, %c0_i32_0 : i32, i32, i32
  }
  func.func @transform_2(%arg0: i32) -> (i32, i32) {
    %c0_i32 = arith.constant 0 : i32
    %c0_i32_0 = arith.constant 0 : i32
    %c0_i32_1 = arith.constant 0 : i32
    return %c0_i32, %c0_i32_0 : i32, i32
  }
  func.func @transform_3(%arg0: i32) -> (i32, i32) {
    %c0_i32 = arith.constant 0 : i32
    %c0_i32_0 = arith.constant 0 : i32
    %c0_i32_1 = arith.constant 0 : i32
    return %c0_i32, %c0_i32_0 : i32, i32
  }
  func.func @transform_4(%arg0: i32) -> (i32, i32) {
    %c0_i32 = arith.constant 0 : i32
    %c0_i32_0 = arith.constant 0 : i32
    %c0_i32_1 = arith.constant 0 : i32
    return %c0_i32, %c0_i32_0 : i32, i32
  }
}

</mosaic_0001>

<sc_bundles>
// kernel: kernel.4.cloned.1.call-start
scs
__scs_entry_jumppad:
0x0: {  	(pc) =	sbr.rel $0x88, $3  }
0x1: {  	(tag) =	ssettag $0x0;
	lr =	simm.s32 $0x1  }
0x2: {  	[smem:$0x3F9C] =	sst lr;
	_ =	strace $0xD0000000  }
0x3: {  	_ = 	snop  }
0x4: {  	_ = 	snop  }
0x5: {  	_ = 	snop  }
0x6: {  	_ = 	snop  }
0x7: {  	_ = 	snop  }
__scs_overlays_trampoline_lowered:
0x8: {  	[smem:$0x3FAB] =	sst s0  }
0x9: {  	[smem:$0x3FAC] =	sst s1  }
0xa: {  	[smem:$0x3FAD] =	sst s2  }
0xb: {  	[smem:$0x3FAE] =	sst s3  }
0xc: {  	[smem:$0x3FAF] =	sst s4  }
0xd: {  	[smem:$0x3FB0] =	sst s5  }
0xe: {  	[smem:$0x3FB1] =	sst s6  }
0xf: {  	[smem:$0x3FB2] =	sst s7  }
0x10: {  	[smem:$0x3FB3] =	sst s8  }
0x11: {  	[smem:$0x3FB4] =	sst s9;
	s0 =	simm.s32 @!p0 $0x0  }
0x12: {  	s1 =	sld [smem:$0x3F9A];
	s0 =	simm.s32 @p0 $0x1  }
0x13: {  	[smem:$0x3FB5] =	sst s0;
	s0 =	simm.s32 @!p1 $0x0  }
0x14: {  	s2 =	sld [smem:$0x3F99];
	s0 =	simm.s32 @p1 $0x1  }
0x15: {  	[smem:$0x3FB6] =	sst s0;
	s0 =	simm.s32 @!p2 $0x0  }
0x16: {  	s3 =	sld [smem:$0x3FDB];
	s0 =	simm.s32 @p2 $0x1  }
0x17: {  	s4 =	simm.s32 $0x1BF5;
	[smem:$0x3FB8] =	sst s0  }
0x18: {  	s0 =	sld [smem:$0x3F9B];
	_ =	swait.ge [sflag:s4], $0x0  }
0x19: {  	s7 =	sld [smem:$0x3F9C]  }
0x1a: {  	s8 =	sadd.s32 $0xFFFFE003, lr  }
0x1b: {  	s9 =	sadd.s32 $0xFFFFFEF7, lr;
	s5 =	simm.s32 $0xFFFFFFFF;
	p2 =	slt.u32 s8, $0xFFFFF086  }
0x1c: {  	p1 =	slt.u32 s9, $0xF7A;
	s5 =	simm.s32 @!p2 $0x0  }
0x1d: {  	s5 =	simm.s32 @p1 $0x1;
	p0 =	seq.s32 s7, s2  }
0x1e: {  	s7 =	smul.u32 @!p0 $0xF7A, s2;
	p2 =	seq.s32 @!p0 s5, $0x0  }
0x1f: {  	s9 =	smul.u32 $0xF7A, s1;
	s8 =	simm.s32 @!p0 $0x1BF5;
	p2 =	por !p2, p0  }
0x20: {  	[sflag:s8] =	ssyncset.s32 @!p0 $0xFFFFF086;
	s6 =	sadd.s32 @!p0 s3, s7;
	s7 =	simm.s32 @!p0 $0x108  }
0x21: {  	s3 =	sadd.s32 s3, s9;
	s6 =	sadd.s32 @!p0 $0x88, s6;
	s7 =	simm.s32 @p2 $0x1082  }
0x22: {  	[simem:s7], [sflag:s8] =	dma.local @!p0 [hbm:s6], $0xF7A  }
0x23: {  	s9 =	sor.u32 $0xD0000000, s2;
	s6 =	simm.s32 $0x108;
	_ =	swait.ge @!p0 [sflag:s8], $0x0  }
0x24: {  	s3 =	sadd.s32 $0x88, s3;
	s6 =	simm.s32 @!p1 $0x1082;
	[sflag:s4] =	ssyncset.s32 $0xFFFFF086  }
0x25: {  	[simem:s6], [sflag:s4] =	dma.local [hbm:s3], $0xF7A  }
0x26: {  	[smem:$0x3F9C] =	sst s1;
	(tag) =	ssettag s2;
	_ =	strace s9  }
0x27: {  	s1 =	sld [smem:$0x3FAC]  }
0x28: {  	s2 =	sld [smem:$0x3FAD]  }
0x29: {  	s4 =	sld [smem:$0x3FAF]  }
0x2a: {  	p0 =	seq.s32 s5, $0x0;
	s5 =	sld [smem:$0x3FB0]  }
0x2b: {  	s6 =	sld [smem:$0x3FB1]  }
0x2c: {  	s7 =	sld [smem:$0x3FB2]  }
0x2d: {  	s3 =	simm.s32 $0x108;
	s8 =	sld [smem:$0x3FB3]  }
0x2e: {  	s3 =	simm.s32 @!p0 $0x1082;
	s9 =	sld [smem:$0x3FB4]  }
0x2f: {  	lr =	sadd.s32 s0, s3;
	s0 =	sld [smem:$0x3FAB]  }
0x30: {  	s3 =	sld [smem:$0x3FAE]  }
0x31: {  	[smem:$0x3FB7] =	sst s10  }
0x32: {  	s10 =	sld [smem:$0x3FB5];
	_ =	sdelay $0x3  }
0x33: {  	p0 =	seq.s32 s10, $0x1;
	s10 =	sld [smem:$0x3FB7];
	_ =	sdelay $0x3  }
0x34: {  	[smem:$0x3FB7] =	sst s10  }
0x35: {  	s10 =	sld [smem:$0x3FB6];
	_ =	sdelay $0x3  }
0x36: {  	p1 =	seq.s32 s10, $0x1;
	s10 =	sld [smem:$0x3FB7];
	_ =	sdelay $0x3  }
0x37: {  	[smem:$0x3FB7] =	sst s10  }
0x38: {  	s10 =	sld [smem:$0x3FB8]  }
0x39: {  	_ = 	snop;
	(pc) =	sbr.ind lr, $3  }
0x3a: {  	_ = 	snop  }
0x3b: {  	_ = 	snop  }
0x3c: {  	p2 =	seq.s32 s10, $0x1;
	s10 =	sld [smem:$0x3FB7]  }
0x3d: {  	_ =	shalt  }
0x3e: {  	_ =	shalt  }
0x3f: {  	_ =	shalt  }
0x40: {  	_ =	shalt  }
0x41: {  	_ =	shalt  }
0x42: {  	_ =	shalt  }
0x43: {  	_ =	shalt  }
0x44: {  	_ =	shalt  }
0x45: {  	_ =	shalt  }
0x46: {  	_ =	shalt  }
0x47: {  	_ =	shalt  }
0x48: {  	_ =	shalt  }
0x49: {  	_ =	shalt  }
0x4a: {  	_ =	shalt  }
0x4b: {  	_ =	shalt  }
0x4c: {  	_ =	shalt  }
0x4d: {  	_ =	shalt  }
0x4e: {  	_ =	shalt  }
0x4f: {  	_ =	shalt  }
0x50: {  	_ =	shalt  }
0x51: {  	_ =	shalt  }
0x52: {  	_ =	shalt  }
0x53: {  	_ =	shalt  }
0x54: {  	_ =	shalt  }
0x55: {  	_ =	shalt  }
0x56: {  	_ =	shalt  }
0x57: {  	_ =	shalt  }
0x58: {  	_ =	shalt  }
0x59: {  	_ =	shalt  }
0x5a: {  	_ =	shalt  }
0x5b: {  	_ =	shalt  }
0x5c: {  	_ =	shalt  }
0x5d: {  	_ =	shalt  }
0x5e: {  	_ =	shalt  }
0x5f: {  	_ =	shalt  }
0x60: {  	_ =	shalt  }
0x61: {  	_ =	shalt  }
0x62: {  	_ =	shalt  }
0x63: {  	_ =	shalt  }
0x64: {  	_ =	shalt  }
0x65: {  	_ =	shalt  }
0x66: {  	_ =	shalt  }
0x67: {  	_ =	shalt  }
0x68: {  	_ =	shalt  }
0x69: {  	_ =	shalt  }
0x6a: {  	_ =	shalt  }
0x6b: {  	_ =	shalt  }
0x6c: {  	_ =	shalt  }
0x6d: {  	_ =	shalt  }
0x6e: {  	_ =	shalt  }
0x6f: {  	_ =	shalt  }
0x70: {  	_ =	shalt  }
0x71: {  	_ =	shalt  }
0x72: {  	_ =	shalt  }
0x73: {  	_ =	shalt  }
0x74: {  	_ =	shalt  }
0x75: {  	_ =	shalt  }
0x76: {  	_ =	shalt  }
0x77: {  	_ =	shalt  }
0x78: {  	_ =	shalt  }
0x79: {  	_ =	shalt  }
0x7a: {  	_ =	shalt  }
0x7b: {  	_ =	shalt  }
0x7c: {  	_ =	shalt  }
0x7d: {  	_ =	shalt  }
0x7e: {  	_ =	shalt  }
0x7f: {  	_ =	shalt  }
0x80: {  	_ =	shalt  }
0x81: {  	_ =	shalt  }
0x82: {  	_ =	shalt  }
0x83: {  	_ =	shalt  }
0x84: {  	_ =	shalt  }
0x85: {  	_ =	shalt  }
0x86: {  	_ =	shalt  }
0x87: {  	_ =	shalt  }
.Lfunc_end0:
.L_simem_size_0:
called_computation_lowered:
.L_overlay_start_0:
0x88: {  	s2 =	sld [smem:$0x3FD9]  }
0x89: {  	s3 =	sld [smem:$0x3FFE];
	_ =	sdelay $0x1  }
0x8a: {  	s1 =	srdreg.scid  }
0x8b: {  	s0 =	sand.u32 $0x1, s1  }
0x8c: {  	s16 =	sshll.u32 s0, $0xA;
	s2 =	sadd.s32 s3, s2  }
0x8d: {  	s2 =	sadd.s32 s2, s16  }
0x8e: {  	[smem:$0x3FC3] =	sst s2  }
0x8f: {  	_ = 	snop  }
0x90: {  	(tm) =	ssettm $0x1  }
0x91: {  	s17 =	sld [smem:$0x3FFB];
	_ =	sdelay $0x3  }
0x92: {  	_ =	strace s17  }
0x93: {  	s2 =	sld [smem:$0x3FFC];
	_ =	sdelay $0x3  }
0x94: {  	_ =	strace s2  }
0x95: {  	s2 =	sld [smem:$0x3FFD];
	_ =	sdelay $0x3  }
0x96: {  	_ =	strace s2  }
0x97: {  	_ =	strace $0x8FFFFFFF  }
0x98: {  	s18 =	sld [smem:$0x3FDB];
	_ =	sdelay $0x1  }
0x99: {  	s19 =	simm.s32 $_scs_section_size  }
0x9a: {  	s4 =	simm.s32 $_size__tile_overlayer_lowered;
	s5 =	simm.s32 $_tile_overlayer_lowered  }
0x9b: {  	s22 =	simm.s32 $0x1BFF;
	s21 =	sshll.u32 s5, $0x1;
	s2 =	sadd.s32 s19, s18  }
0x9c: {  	s6 =	simm.s32 $0x0;
	s20 =	sshll.u32 s4, $0x1;
	s4 =	sadd.s32 s21, s2  }
0x9d: {  	[timem:s6], [sflag:s22] =	dma.local [hbm:s4], s20  }
0x9e: {  	_ =	swait.ge [sflag:s22], s20  }
0x9f: {  	s3 =	ssub.s32 $0x0, s20;
	[sflag:s22] =	ssyncset.done $0x0  }
0xa0: {  	[sflag:s22] =	ssyncadd.s32 s3;
	_ =	sdelay $0x1  }
0xa1: {  	s23 =	simm.s32 $0x1B8B  }
0xa2: {  	_ =	swait.ge [sflag:s23], $0x1  }
0xa3: {  	[sflag:s23] =	ssyncset.done $0x0  }
0xa4: {  	s25 =	simm.s32 $0x1B8E;
	s24 =	sld [smem:$0x3FFE];
	[sflag:s23] =	ssyncadd.s32 $0xFFFFFFFF  }
0xa5: {  	s26 =	simm.s32 $execute0_lowered;
	[smem:$0x3FD2] =	sst s25  }
0xa6: {  	s4 =	sshll.u32 s26, $0x1;
	_ =	strace $0x80000046;
	[dreg:$0x1] =	wrdreg $0xFFFFFFFF  }
0xa7: {  	s28 =	simm.s32 $_size_execute0_lowered;
	s2 =	sadd.s32 s2, s4;
	[dreg:$0x0] =	wrdreg $0x0  }
0xa8: {  	s4 =	sshll.u32 s28, $0x1;
	[dreg:$0x2] =	wrdreg s2  }
0xa9: {  	[dreg:$0x3] =	wrdreg s4  }
0xaa: {  	[dreg:$0x4] =	wrdreg $0xC0  }
0xab: {  	_ =	task [dreg:s6], $0x5FFFF  }
0xac: {  	[dreg:$0x1] =	wrdreg $0xFFFFFFFF  }
0xad: {  	[dreg:$0x0] =	wrdreg $0x60  }
0xae: {  	[dreg:$0x2] =	wrdreg s24  }
0xaf: {  	[dreg:$0x3] =	wrdreg $0x9  }
0xb0: {  	_ =	task.clear_ibuf [dreg:s6], $0x4FFFF;
	_ =	strace $0x90000046  }
0xb1: {  	s29 =	simm.s32 $0x9;
	_ =	strace $0x80000048  }
0xb2: {  	_ =	swait.ge [sflag:s29], $0x1  }
0xb3: {  	[sflag:s29] =	ssyncadd.s32 $0xFFFFFFFF  }
0xb4: {  	_ =	strace $0x90000048  }
0xb5: {  	_ =	sfence  }
0xb6: {  	s30 =	sld [smem:$0x0];
	_ =	sdelay $0x2  }
0xb7: {  	s31 =	sshll.u32 s1, $0xD;
	s1 =	sshrl.u32 s1, $0x2  }
0xb8: {  	s3 =	sand.u32 $0x4000, s31;
	s1 =	sadd.s32 s1, s30  }
0xb9: {  	s0 =	sor.u32 s3, s0;
	s1 =	sshll.u32 s1, $0x11  }
0xba: {  	s0 =	sor.u32 s1, s0  }
0xbb: {  	s0 =	sadd.s32 $0x8F2B, s0  }
0xbc: {  	[sflag:s0] =	ssyncadd.remote.s32 $0x1  }
0xbd: {  	_ =	sfence.sel $0xFFFF  }
0xbe: {  	[dreg:$0x0] =	wrdreg $0xFFFFFFFF;
	(pc) =	sbr.abs _section_cstart, $3  }
0xbf: {  	[dreg:$0x1] =	wrdreg $0xFFFFFFFF  }
0xc0: {  	_ =	task.clear_ibuf [dreg:s6], $0x2FFFF;
	_ =	strace $0x9FFFFFFF  }
0xc1: {  	(tm) =	ssettm $0x7FFFFFFF  }
tec
execute0_lowered:
.L_overlay_start_1:
0x0: {  	(tag) =	ssettag $0x1  }
0x1: {  	s1 =	srdreg.scid;
	s0 =	stileid.u32  }
0x2: {  	s5 =	rddreg [dreg:$0x0];
	s2 =	simm.s32 $0x0;
	s10 =	simm.s32 $0x1900  }
0x3: {  	s11 =	simm.s32 $0x80;
	s12 =	simm.s32 $0x3200;
	s13 =	simm.s32 $0x5200  }
0x4: {  	s14 =	simm.s32 $0x1;
	s15 =	simm.s32 $0x4200;
	s16 =	simm.s32 $0x6200  }
0x5: {  	s17 =	simm.s32 $0x20;
	s18 =	simm.s32 $0x7200;
	s19 =	simm.s32 $0x2  }
0x6: {  	s20 =	simm.s32 $0x8200;
	s21 =	simm.s32 $0x3;
	s22 =	simm.s32 $0x4  }
0x7: {  	s3 =	sand.u32 $0x1, s1;
	s4 =	sshll.u32 s0, $0x1;
	s1 =	rddreg [dreg:$0x1]  }
0x8: {  	s23 =	simm.s32 $0x0;
	[smem:$0x7FF] =	sst s2;
	s7 =	sor.u32 s3, s4  }
0x9: {  	s6 =	ssub.s32 $0x2, s3;
	_ =	strace $0x80000047;
	s8 =	smul.u32 $0x320, s7  }
0xa: {  	s3 =	sadd.s32 $0xF42400, s5;
	s4 =	sadd.s32 $0xC800, s5;
	s9 =	sshrl.u32 s6, $0x1  }
0xb: {  	s7 =	smul.u32 $0x32, s7;
	s9 =	ssub.s32 s6, s9;
	s5 =	sadd.s32 s5, s8  }
0xc: {  	s8 =	smax.u32 s9, $0x1;
	s9 =	simm.s32 $0x5;
	s6 =	sadd.s32 $0x6400, s5  }
.LBB2_1:
0xd: {  	[tilespmem:s2], [sflag:$0x5] =	stream.linear.gather [hbm4b:s5+s2], $0x1900, $0x38;
	[tilespmem:$0x9200] =	vst v63  }
0xe: {  	_ =	swait.ge [sflag:s9], $0x1900  }
0xf: {  	[sflag:s9] =	ssyncset.done $0x0  }
0x10: {  	[sflag:s9] =	ssyncadd.s32 $0xFFFFE700  }
0x11: {  	[tilespmem:s10], [sflag:$0x5] =	stream.linear.gather [hbm4b:s6+s2], $0x1900, $0x38;
	[tilespmem:$0x9200] =	vst v63  }
0x12: {  	_ =	swait.ge [sflag:s9], $0x1900  }
0x13: {  	[sflag:s9] =	ssyncset.done $0x0  }
0x14: {  	[sflag:s9] =	ssyncadd.s32 $0xFFFFE700  }
0x15: {  	[tilespmem:s12], [sflag:$0x1] =	stream.indirect.gather [hbm4b:s3+s11], $0x20, s2, s11, $0xb8;
	[tilespmem:$0x9200] =	vst v63  }
0x16: {  	s24 =	simm.s32 $0x0  }
0x17: {  	[tilespmem:s13], [sflag:$0x1] =	stream.indirect.gather [hbm4b:s3+s11], $0x20, s10, s11, $0xb8;
	[tilespmem:$0x9200] =	vst v63  }
.LBB2_2:
0x18: {  	p0 =	seq.s32 s24, $0x0  }
0x19: {  	s25 =	simm.s32 @!p0 $0x3  }
0x1a: {  	_ =	swait.ge @!p0 [sflag:s25], $0x1000  }
0x1b: {  	[sflag:s25] =	ssyncset.done @!p0 $0x0  }
0x1c: {  	[sflag:s25] =	ssyncadd.s32 @!p0 $0xFFFFF000  }
0x1d: {  	_ =	swait.ge [sflag:s14], $0x1000  }
0x1e: {  	[sflag:s14] =	ssyncset.done $0x0  }
0x1f: {  	[sflag:s14] =	ssyncadd.s32 $0xFFFFF000  }
0x20: {  	s26 =	sshll.u32 s24, $0x1;
	_ =	swait.ge [sflag:s14], $0x1000  }
0x21: {  	s25 =	sor.u32 $0x1, s26;
	[sflag:s14] =	ssyncset.done $0x0  }
0x22: {  	s28 =	sshll.u32 s25, $0x7;
	[sflag:s14] =	ssyncadd.s32 $0xFFFFF000  }
0x23: {  	[tilespmem:s15], [sflag:$0x2] =	stream.indirect.gather [hbm4b:s3+s11], $0x20, s28, s11, $0xb8;
	[tilespmem:$0x9200] =	vst v63  }
0x24: {  	s28 =	sadd.s32 $0x1900, s28  }
0x25: {  	[tilespmem:s16], [sflag:$0x2] =	stream.indirect.gather [hbm4b:s3+s11], $0x20, s28, s11, $0xb8;
	[tilespmem:$0x9200] =	vst v63  }
0x26: {  	s28 =	simm.s32 $0x0  }
0x27: {  	v0 =	vld [tilespmem:s28+$0x3270]  }
0x28: {  	v1 =	vld [tilespmem:s28+$0x5270]  }
0x29: {  	v2 =	vld [tilespmem:s28+$0x3200]  }
0x2a: {  	v3 =	vld [tilespmem:s28+$0x5200]  }
0x2b: {  	v4 =	vld [tilespmem:s28+$0x3210]  }
0x2c: {  	v5 =	vld [tilespmem:s28+$0x5210]  }
0x2d: {  	v6 =	vld [tilespmem:s28+$0x3220]  }
0x2e: {  	v7 =	vld [tilespmem:s28+$0x3230]  }
0x2f: {  	v0 =	vsub.f32 v0, v1;
	v1 =	vld [tilespmem:s28+$0x5220]  }
0x30: {  	v8 =	vld [tilespmem:s28+$0x5230]  }
0x31: {  	v9 =	vld [tilespmem:s28+$0x5240];
	v2 =	vsub.f32 v2, v3  }
0x32: {  	[tilespmem:s28+$0x7270] =	vst v0;
	v0 =	vsub.f32 v4, v5;
	v5 =	vld [tilespmem:s28+$0x3240]  }
0x33: {  	v3 =	vld [tilespmem:s28+$0x5250];
	[tilespmem:s28+$0x7200] =	vst v2  }
0x34: {  	v2 =	vld [tilespmem:s28+$0x3250];
	[tilespmem:s28+$0x7210] =	vst v0;
	v0 =	vsub.f32 v6, v1  }
0x35: {  	v4 =	vld [tilespmem:s28+$0x5260];
	v6 =	vsub.f32 v7, v8  }
0x36: {  	s29 =	simm.s32 $0x80;
	[tilespmem:s28+$0x7220] =	vst v0;
	v0 =	vld [tilespmem:s28+$0x3260]  }
0x37: {  	s30 =	simm.s32 $0x400;
	v5 =	vsub.f32 v5, v9;
	v1 =	vld [tilespmem:s29+$0x3270];
	[tilespmem:s28+$0x7230] =	vst v6  }
.LBB2_3:
0x38: {  	p1 =	sne.s32 s30, $0x3E00;
	v6 =	vld [tilespmem:s29+$0x5270]  }
0x39: {  	v7 =	vld [tilespmem:s29+$0x3200];
	[tilespmem:s28+$0x7240] =	vst v5;
	v2 =	vsub.f32 v2, v3  }
0x3a: {  	v3 =	vld [tilespmem:s29+$0x5200]  }
0x3b: {  	v5 =	vld [tilespmem:s29+$0x3210];
	[tilespmem:s28+$0x7250] =	vst v2;
	v0 =	vsub.f32 v0, v4  }
0x3c: {  	v2 =	vld [tilespmem:s29+$0x5210]  }
0x3d: {  	v4 =	vld [tilespmem:s29+$0x3220];
	v1 =	vsub.f32 v1, v6;
	[tilespmem:s28+$0x7260] =	vst v0;
	s28 =	smov.u32 s29  }
0x3e: {  	v0 =	vld [tilespmem:s28+$0x5220]  }
0x3f: {  	v3 =	vsub.f32 v7, v3;
	v6 =	vld [tilespmem:s28+$0x3230];
	[tilespmem:s28+$0x7270] =	vst v1  }
0x40: {  	v1 =	vld [tilespmem:s28+$0x5230]  }
0x41: {  	[tilespmem:s28+$0x7200] =	vst v3;
	v2 =	vsub.f32 v5, v2;
	v5 =	vld [tilespmem:s28+$0x3240]  }
0x42: {  	v7 =	vld [tilespmem:s28+$0x5240]  }
.Ltmp0:
0x43: {  	[tilespmem:s28+$0x7210] =	vst v2;
	v0 =	vsub.f32 v4, v0;
	v2 =	vld [tilespmem:s28+$0x3250];
	(pc) =	sbr.rel @p1 .LBB2_3-.Ltmp0, $4  }
0x44: {  	v3 =	vld [tilespmem:s28+$0x5250]  }
0x45: {  	[tilespmem:s28+$0x7220] =	vst v0;
	v6 =	vsub.f32 v6, v1;
	v0 =	vld [tilespmem:s28+$0x3260]  }
0x46: {  	s29 =	sshra.s32 s30, $0x2;
	v4 =	vld [tilespmem:s28+$0x5260]  }
0x47: {  	s30 =	sadd.s32 $0x200, s30;
	v1 =	vld [tilespmem:s29+$0x3270];
	[tilespmem:s28+$0x7230] =	vst v6;
	v5 =	vsub.f32 v5, v7  }
0x48: {  	v6 =	vld [tilespmem:s29+$0x5270]  }
0x49: {  	v7 =	vld [tilespmem:s29+$0x3200];
	[tilespmem:s28+$0x7240] =	vst v5;
	v2 =	vsub.f32 v2, v3  }
0x4a: {  	v3 =	vld [tilespmem:s29+$0x5200]  }
0x4b: {  	v5 =	vld [tilespmem:s29+$0x3210];
	[tilespmem:s28+$0x7250] =	vst v2;
	v0 =	vsub.f32 v0, v4  }
0x4c: {  	v2 =	vld [tilespmem:s29+$0x5210]  }
0x4d: {  	v4 =	vld [tilespmem:s29+$0x3220];
	[tilespmem:s28+$0x7260] =	vst v0  }
0x4e: {  	v0 =	vsub.f32 v1, v6;
	v1 =	vld [tilespmem:s29+$0x5220]  }
0x4f: {  	v6 =	vld [tilespmem:s29+$0x3230]  }
0x50: {  	v3 =	vsub.f32 v7, v3;
	[tilespmem:s29+$0x7270] =	vst v0;
	v0 =	vld [tilespmem:s29+$0x5230]  }
0x51: {  	v7 =	vld [tilespmem:s29+$0x5260]  }
0x52: {  	[tilespmem:s29+$0x7200] =	vst v3;
	v2 =	vsub.f32 v5, v2;
	v3 =	vld [tilespmem:s29+$0x3240]  }
0x53: {  	v5 =	vld [tilespmem:s29+$0x5240]  }
0x54: {  	[tilespmem:s29+$0x7210] =	vst v2;
	v1 =	vsub.f32 v4, v1;
	v2 =	vld [tilespmem:s29+$0x3250]  }
0x55: {  	v4 =	vld [tilespmem:s29+$0x5250]  }
0x56: {  	[tilespmem:s29+$0x7220] =	vst v1;
	v1 =	vld [tilespmem:s29+$0x3260];
	_ =	sdelay $0x1  }
0x57: {  	v0 =	vsub.f32 v6, v0  }
0x58: {  	s26 =	sadd.s32 s7, s26;
	v3 =	vsub.f32 v3, v5  }
0x59: {  	s30 =	sshll.u32 s26, $0xB;
	s28 =	sshll.u32 s26, $0x9;
	[tilespmem:s29+$0x7230] =	vst v0;
	v0 =	vsub.f32 v2, v4  }
0x5a: {  	s30 =	sand.u32 $0x1000, s30;
	s26 =	sand.u32 $0xC, s26;
	s28 =	sand.u32 $0xFFFE000, s28;
	[tilespmem:s29+$0x7240] =	vst v3;
	v1 =	vsub.f32 v1, v7  }
0x5b: {  	s26 =	sadd.s32 s4, s26;
	s28 =	sor.u32 s30, s28;
	[tilespmem:s29+$0x7250] =	vst v0  }
0x5c: {  	s26 =	sadd.s32 s28, s26;
	[tilespmem:s29+$0x7260] =	vst v1  }
0x5d: {  	[hbm4b:s26+s17] =	stream.strided.scatter [tilespmem:s18], [sflag:$0x3], $0x1000, s11, s17, $0x38;
	[tilespmem:$0x9200] =	vst v63  }
0x5e: {  	s26 =	simm.s32 @!p0 $0x4  }
0x5f: {  	_ =	swait.ge @!p0 [sflag:s26], $0x1000  }
0x60: {  	[sflag:s26] =	ssyncset.done @!p0 $0x0  }
0x61: {  	[sflag:s26] =	ssyncadd.s32 @!p0 $0xFFFFF000  }
0x62: {  	_ =	swait.ge [sflag:s19], $0x1000  }
0x63: {  	[sflag:s19] =	ssyncset.done $0x0  }
0x64: {  	[sflag:s19] =	ssyncadd.s32 $0xFFFFF000  }
0x65: {  	p0 =	seq.s32 s24, $0x18;
	_ =	swait.ge [sflag:s19], $0x1000  }
0x66: {  	s26 =	sshll.u32 @!p0 s24, $0x8;
	s29 =	simm.s32 @!p0 $0x80;
	[sflag:s19] =	ssyncset.done $0x0  }
0x67: {  	s30 =	simm.s32 @!p0 $0x3200;
	s28 =	sadd.s32 @!p0 $0x100, s26;
	[sflag:s19] =	ssyncadd.s32 $0xFFFFF000  }
0x68: {  	[tilespmem:s30], [sflag:$0x1] =	stream.indirect.gather @!p0 [hbm4b:s3+s29], $0x20, s28, s29, $0xb8;
	[tilespmem:$0x9200] =	vst v63  }
0x69: {  	s26 =	sadd.s32 @!p0 $0x1A00, s26;
	s28 =	simm.s32 @!p0 $0x5200  }
0x6a: {  	[tilespmem:s28], [sflag:$0x1] =	stream.indirect.gather @!p0 [hbm4b:s3+s29], $0x20, s26, s29, $0xb8;
	[tilespmem:$0x9200] =	vst v63  }
0x6b: {  	s26 =	simm.s32 $0x0  }
0x6c: {  	v0 =	vld [tilespmem:s26+$0x4270]  }
0x6d: {  	v1 =	vld [tilespmem:s26+$0x6270]  }
0x6e: {  	v2 =	vld [tilespmem:s26+$0x4200]  }
0x6f: {  	v3 =	vld [tilespmem:s26+$0x6200]  }
0x70: {  	v4 =	vld [tilespmem:s26+$0x4210]  }
0x71: {  	v5 =	vld [tilespmem:s26+$0x6210]  }
0x72: {  	v6 =	vld [tilespmem:s26+$0x4220]  }
0x73: {  	v7 =	vld [tilespmem:s26+$0x4230]  }
0x74: {  	v0 =	vsub.f32 v0, v1;
	v1 =	vld [tilespmem:s26+$0x6220]  }
0x75: {  	v8 =	vld [tilespmem:s26+$0x6230]  }
0x76: {  	v9 =	vld [tilespmem:s26+$0x6240];
	v2 =	vsub.f32 v2, v3  }
0x77: {  	[tilespmem:s26+$0x8270] =	vst v0;
	v0 =	vsub.f32 v4, v5;
	v5 =	vld [tilespmem:s26+$0x4240]  }
0x78: {  	v3 =	vld [tilespmem:s26+$0x6250];
	[tilespmem:s26+$0x8200] =	vst v2  }
0x79: {  	v2 =	vld [tilespmem:s26+$0x4250];
	[tilespmem:s26+$0x8210] =	vst v0;
	v0 =	vsub.f32 v6, v1  }
0x7a: {  	v4 =	vld [tilespmem:s26+$0x6260];
	v6 =	vsub.f32 v7, v8  }
0x7b: {  	s28 =	simm.s32 $0x80;
	[tilespmem:s26+$0x8220] =	vst v0;
	v0 =	vld [tilespmem:s26+$0x4260]  }
0x7c: {  	s29 =	simm.s32 $0x400;
	v5 =	vsub.f32 v5, v9;
	v1 =	vld [tilespmem:s28+$0x4270];
	[tilespmem:s26+$0x8230] =	vst v6  }
.LBB2_5:
0x7d: {  	p0 =	sne.s32 s29, $0x3E00;
	v6 =	vld [tilespmem:s28+$0x6270]  }
0x7e: {  	v7 =	vld [tilespmem:s28+$0x4200];
	[tilespmem:s26+$0x8240] =	vst v5;
	v2 =	vsub.f32 v2, v3  }
0x7f: {  	v3 =	vld [tilespmem:s28+$0x6200]  }
0x80: {  	v5 =	vld [tilespmem:s28+$0x4210];
	[tilespmem:s26+$0x8250] =	vst v2;
	v0 =	vsub.f32 v0, v4  }
0x81: {  	v2 =	vld [tilespmem:s28+$0x6210]  }
0x82: {  	v4 =	vld [tilespmem:s28+$0x4220];
	v1 =	vsub.f32 v1, v6;
	[tilespmem:s26+$0x8260] =	vst v0;
	s26 =	smov.u32 s28  }
0x83: {  	v0 =	vld [tilespmem:s26+$0x6220]  }
0x84: {  	v3 =	vsub.f32 v7, v3;
	v6 =	vld [tilespmem:s26+$0x4230];
	[tilespmem:s26+$0x8270] =	vst v1  }
0x85: {  	v1 =	vld [tilespmem:s26+$0x6230]  }
0x86: {  	[tilespmem:s26+$0x8200] =	vst v3;
	v2 =	vsub.f32 v5, v2;
	v5 =	vld [tilespmem:s26+$0x4240]  }
0x87: {  	v7 =	vld [tilespmem:s26+$0x6240]  }
.Ltmp1:
0x88: {  	[tilespmem:s26+$0x8210] =	vst v2;
	v0 =	vsub.f32 v4, v0;
	v2 =	vld [tilespmem:s26+$0x4250];
	(pc) =	sbr.rel @p0 .LBB2_5-.Ltmp1, $4  }
0x89: {  	v3 =	vld [tilespmem:s26+$0x6250]  }
0x8a: {  	[tilespmem:s26+$0x8220] =	vst v0;
	v6 =	vsub.f32 v6, v1;
	v0 =	vld [tilespmem:s26+$0x4260]  }
0x8b: {  	s28 =	sshra.s32 s29, $0x2;
	v4 =	vld [tilespmem:s26+$0x6260]  }
0x8c: {  	s29 =	sadd.s32 $0x200, s29;
	v1 =	vld [tilespmem:s28+$0x4270];
	[tilespmem:s26+$0x8230] =	vst v6;
	v5 =	vsub.f32 v5, v7  }
0x8d: {  	v6 =	vld [tilespmem:s28+$0x6270]  }
0x8e: {  	v7 =	vld [tilespmem:s28+$0x4200];
	[tilespmem:s26+$0x8240] =	vst v5;
	v2 =	vsub.f32 v2, v3  }
0x8f: {  	v51 =	vld [tilespmem:s28+$0x6200]  }
0x90: {  	v5 =	vld [tilespmem:s28+$0x4210];
	[tilespmem:s26+$0x8250] =	vst v2;
	v0 =	vsub.f32 v0, v4  }
0x91: {  	v2 =	vld [tilespmem:s28+$0x6210]  }
0x92: {  	v52 =	vld [tilespmem:s28+$0x4220];
	[tilespmem:s26+$0x8260] =	vst v0  }
0x93: {  	v54 =	vld [tilespmem:s28+$0x6220]  }
0x94: {  	v55 =	vld [tilespmem:s28+$0x4230]  }
0x95: {  	v56 =	vld [tilespmem:s28+$0x6230]  }
0x96: {  	v57 =	vld [tilespmem:s28+$0x4240]  }
0x97: {  	v58 =	vld [tilespmem:s28+$0x6240]  }
0x98: {  	v59 =	vld [tilespmem:s28+$0x4250]  }
0x99: {  	v53 =	vsub.f32 v1, v6;
	v60 =	vld [tilespmem:s28+$0x6250]  }
0x9a: {  	v61 =	vld [tilespmem:s28+$0x4260];
	v3 =	vsub.f32 v7, v51  }
0x9b: {  	v62 =	vld [tilespmem:s28+$0x6260];
	[tilespmem:s28+$0x8270] =	vst v53;
	v2 =	vsub.f32 v5, v2  }
0x9c: {  	[tilespmem:s28+$0x8200] =	vst v3;
	v1 =	vsub.f32 v52, v54  }
0x9d: {  	s24 =	sadd.s32 $0x1, s24;
	[tilespmem:s28+$0x8210] =	vst v2;
	v0 =	vsub.f32 v55, v56  }
0x9e: {  	s25 =	sadd.s32 s7, s25;
	p0 =	sne.s32 s24, $0x19;
	v3 =	vsub.f32 v57, v58;
	[tilespmem:s28+$0x8220] =	vst v1  }
.Ltmp2:
0x9f: {  	s31 =	sshll.u32 s25, $0x9;
	s29 =	sshll.u32 s25, $0xB;
	v63 =	vsub.f32 v59, v60;
	[tilespmem:s28+$0x8230] =	vst v0;
	(pc) =	sbr.rel @p0 .LBB2_2-.Ltmp2, $4  }
0xa0: {  	s25 =	sand.u32 $0xC, s25;
	s29 =	sand.u32 $0x1800, s29;
	s26 =	sand.u32 $0xFFFE000, s31;
	[tilespmem:s28+$0x8240] =	vst v3;
	v1 =	vsub.f32 v61, v62  }
0xa1: {  	s25 =	sadd.s32 s4, s25;
	s26 =	sor.u32 s29, s26;
	[tilespmem:s28+$0x8250] =	vst v63  }
0xa2: {  	s25 =	sadd.s32 s26, s25;
	[tilespmem:s28+$0x8260] =	vst v1  }
0xa3: {  	[hbm4b:s25+s17] =	stream.strided.scatter [tilespmem:s20], [sflag:$0x4], $0x1000, s11, s17, $0x38;
	[tilespmem:$0x9200] =	vst v63  }
0xa4: {  	s23 =	sadd.s32 $0x1, s23  }
0xa5: {  	_ =	swait.ge [sflag:s21], $0x1000;
	p0 =	sne.s32 s23, s8  }
.Ltmp3:
0xa6: {  	[sflag:s21] =	ssyncset.done $0x0;
	(pc) =	sbr.rel @p0 .LBB2_1-.Ltmp3, $4  }
0xa7: {  	[sflag:s21] =	ssyncadd.s32 $0xFFFFF000  }
0xa8: {  	_ =	swait.ge [sflag:s22], $0x1000  }
0xa9: {  	[sflag:s22] =	ssyncset.done $0x0  }
0xaa: {  	[sflag:s22] =	ssyncadd.s32 $0xFFFFF000  }
0xab: {  	_ =	sfence.sel $0x180000  }
0xac: {  	[bflag:$0x0] =	sbarrier.arrive $0xFFFF  }
0xad: {  	p0 =	sne.s32 s0, $0x0;
	_ =	strace $0x90000047  }
0xae: {  	s0 =	sadd.s32 @!p0 $0x100000, s1;
	[bflag:$0x2] =	sbarrier.arrive $0xFFFF  }
0xaf: {  	[sflag:s0] =	ssyncadd.tile.s32 @!p0 $0x1;
	_ =	shalt  }
.Lfunc_end2:
_tile_overlayer_lowered:
.L_overlay_start_2:
0xb0: {  	(tag) =	ssettag $0x2  }
0xb1: {  	s0 =	rddreg [dreg:$0x0];
	s2 =	stileid.u32  }
0xb2: {  	s1 =	rddreg [dreg:$0x1];
	p0 =	sne.s32 s2, $0x0  }
0xb3: {  	s3 =	rddreg [dreg:$0x2];
	[bflag:$0x3] =	sbarrier.arrive $0xFFFF;
	s2 =	simm.s32 @!p0 $0x1C05  }
0xb4: {  	[timem:s3], [sflag:s2] =	dma.local @!p0 [hbm:s0], s1  }
0xb5: {  	s0 =	simm.s32 @!p0 $0x5  }
0xb6: {  	_ =	swait.ge @!p0 [sflag:s0], s1  }
0xb7: {  	s1 =	ssub.s32 @!p0 $0x0, s1;
	[sflag:s0] =	ssyncset.done @!p0 $0x0  }
0xb8: {  	[sflag:s0] =	ssyncadd.s32 @!p0 s1  }
0xb9: {  	[bflag:$0x3] =	sbarrier.arrive $0xFFFF  }
0xba: {  	_ =	shalt  }

</sc_bundles>
